<compile_context>
chip_gen: v7x
topology: tpu7x:2x2x1
jax: 0.10.2.dev20260603
libtpu: 0.0.44.dev20260713+nightly
codegen_flags: <defaults>
</compile_context>

<pallas_src>
import functools

import jax
import jax.numpy as jnp
from jax import lax
from jax.experimental import pallas as pl
from jax.experimental.pallas import tpu as pltpu
from jax.experimental.pallas import tpu_sc as plsc

E = 8
D = 768
F = 768
DP = D // 2
T = 2048
BLK = 512
MAXB = 15
NPAD = MAXB * BLK
NC = 2
NS = 16
NW = NC * NS
TPW = T // NW


def _pack(x):
    z = lax.bitcast_convert_type(x.astype(jnp.bfloat16), jnp.uint16)
    lo = z[:, :DP].astype(jnp.uint32)
    hi = z[:, DP:].astype(jnp.uint32)
    return lax.bitcast_convert_type(lo | (hi << 16), jnp.int32)


def _unpack(p):
    u = lax.bitcast_convert_type(p, jnp.uint32)
    lo = lax.bitcast_convert_type((u & 0xFFFF).astype(jnp.uint16), jnp.bfloat16)
    hi = lax.bitcast_convert_type((u >> 16).astype(jnp.uint16), jnp.bfloat16)
    return jnp.concatenate([lo, hi], axis=1)


def _router_body(h2_ref, gw_ref, ht_ref, pa_ref, pb_ref, wt_ref, be_ref, bv_ref):
    h2 = h2_ref[...]
    gw = gw_ref[...]
    ht_ref[...] = _pack(jnp.transpose(h2, (1, 0)))
    logits = lax.dot_general(h2, gw, (((0,), (1,)), ((), ())),
                             preferred_element_type=jnp.float32)
    iota_e = lax.broadcasted_iota(jnp.int32, (T, E), 1)
    m1 = jnp.max(logits, axis=1, keepdims=True)
    e1 = jnp.min(jnp.where(logits >= m1, iota_e, E), axis=1, keepdims=True)
    a_mask = iota_e == e1
    l2 = jnp.where(a_mask, -jnp.inf, logits)
    m2 = jnp.max(l2, axis=1, keepdims=True)
    e2 = jnp.min(jnp.where(l2 >= m2, iota_e, E), axis=1, keepdims=True)
    b_mask = iota_e == e2
    w1 = 1.0 / (1.0 + jnp.exp(m2 - m1))
    wt_ref[:, 0:1] = w1
    wt_ref[:, 1:2] = 1.0 - w1

    s = a_mask.astype(jnp.float32) + b_mask.astype(jnp.float32)
    x = s
    shift = 1
    while shift < T:
        x = x + jnp.concatenate(
            [jnp.zeros((shift, E), jnp.float32), x[: T - shift]], axis=0)
        shift *= 2
    rank = x - s
    counts = jnp.sum(s, axis=0, keepdims=True)
    nblk = jnp.ceil(counts * (1.0 / BLK))
    tri = (lax.broadcasted_iota(jnp.int32, (E, E), 0)
           <= lax.broadcasted_iota(jnp.int32, (E, E), 1)).astype(jnp.float32)
    cumb = lax.dot_general(nblk, tri, (((1,), (0,)), ((), ())),
                           preferred_element_type=jnp.float32)
    poff = (cumb - nblk) * BLK
    base = poff + rank
    pos_a = jnp.sum(jnp.where(a_mask, base, 0.0), axis=1)
    pos_b = jnp.sum(jnp.where(b_mask, base, 0.0), axis=1)
    pa_ref[0, :] = pos_a.astype(jnp.int32)
    pb_ref[0, :] = pos_b.astype(jnp.int32)

    ib = lax.broadcasted_iota(jnp.int32, (MAXB, E), 0)
    cumb_i = cumb.astype(jnp.int32)
    owner = jnp.sum((ib >= cumb_i).astype(jnp.int32), axis=1)
    bv_ref[0, :] = (owner < E).astype(jnp.int32)
    be_ref[0, :] = jnp.minimum(owner, E - 1)


def _router(h2, gate_w):
    return pl.pallas_call(
        _router_body,
        out_shape=[
            jax.ShapeDtypeStruct((T, DP), jnp.int32),
            jax.ShapeDtypeStruct((1, T), jnp.int32),
            jax.ShapeDtypeStruct((1, T), jnp.int32),
            jax.ShapeDtypeStruct((T, 2), jnp.float32),
            jax.ShapeDtypeStruct((1, MAXB), jnp.int32),
            jax.ShapeDtypeStruct((1, MAXB), jnp.int32),
        ],
    )(h2, gate_w)


@functools.cache
def _make_sc_scatter():
    @functools.partial(
        pl.kernel,
        mesh=plsc.VectorSubcoreMesh(core_axis_name="c", subcore_axis_name="s"),
        out_type=jax.ShapeDtypeStruct((NPAD, DP), jnp.int32),
        scratch_types=[
            pltpu.VMEM((TPW,), jnp.int32),
            pltpu.VMEM((TPW,), jnp.int32),
            pltpu.VMEM((TPW, DP), jnp.int32),
            pltpu.SemaphoreType.DMA,
        ],
    )
    def _sc_scatter(h_hbm, pos_a_hbm, pos_b_hbm, out_hbm, ia_v, ib_v, rows_v, sem):
        wid = lax.axis_index("s") * NC + lax.axis_index("c")
        start = wid * TPW
        pltpu.sync_copy(h_hbm.at[pl.ds(start, TPW)], rows_v)
        pltpu.sync_copy(pos_a_hbm.at[pl.ds(start, TPW)], ia_v)
        pltpu.sync_copy(pos_b_hbm.at[pl.ds(start, TPW)], ib_v)
        pltpu.async_copy(rows_v, out_hbm.at[ia_v], sem).wait()
        pltpu.async_copy(rows_v, out_hbm.at[ib_v], sem).wait()

    return _sc_scatter


def _expert_body(be_ref, bv_ref, x_ref, w1_ref, w3_ref, w2_ref, y_ref):
    i = pl.program_id(0)

    @pl.when(bv_ref[i] != 0)
    def _():
        x = _unpack(x_ref[...])
        w1 = w1_ref[0].astype(jnp.bfloat16)
        w3 = w3_ref[0].astype(jnp.bfloat16)
        w2 = w2_ref[0].astype(jnp.bfloat16)
        a = lax.dot_general(x, w1, (((1,), (1,)), ((), ())),
                            preferred_element_type=jnp.float32)
        b = lax.dot_general(x, w3, (((1,), (1,)), ((), ())),
                            preferred_element_type=jnp.float32)
        g = 0.5 * a * (1.0 + lax.erf(a * 0.7071067811865476))
        inter = (g * b).astype(jnp.bfloat16)
        y = lax.dot_general(inter, w2, (((1,), (1,)), ((), ())),
                            preferred_element_type=jnp.float32)
        y_ref[...] = _pack(y)


def _experts(hg, W1, W2, W3, be, bv):
    grid_spec = pltpu.PrefetchScalarGridSpec(
        num_scalar_prefetch=2,
        grid=(MAXB,),
        in_specs=[
            pl.BlockSpec((BLK, DP), lambda i, be, bv: (i, 0)),
            pl.BlockSpec((1, F, D), lambda i, be, bv: (be[i], 0, 0)),
            pl.BlockSpec((1, F, D), lambda i, be, bv: (be[i], 0, 0)),
            pl.BlockSpec((1, D, F), lambda i, be, bv: (be[i], 0, 0)),
        ],
        out_specs=pl.BlockSpec((BLK, DP), lambda i, be, bv: (i, 0)),
    )
    return pl.pallas_call(
        _expert_body,
        grid_spec=grid_spec,
        out_shape=jax.ShapeDtypeStruct((NPAD, DP), jnp.int32),
    )(be, bv, hg, W1, W3, W2)


@functools.cache
def _make_sc_gather():
    @functools.partial(
        pl.kernel,
        mesh=plsc.VectorSubcoreMesh(core_axis_name="c", subcore_axis_name="s"),
        out_type=[
            jax.ShapeDtypeStruct((T, DP), jnp.int32),
            jax.ShapeDtypeStruct((T, DP), jnp.int32),
        ],
        scratch_types=[
            pltpu.VMEM((TPW,), jnp.int32),
            pltpu.VMEM((TPW, DP), jnp.int32),
            pltpu.SemaphoreType.DMA,
        ],
    )
    def _sc_gather(yg_hbm, pos_a_hbm, pos_b_hbm, oa_hbm, ob_hbm, idx_v, rows_v, sem):
        wid = lax.axis_index("s") * NC + lax.axis_index("c")
        start = wid * TPW
        pltpu.sync_copy(pos_a_hbm.at[pl.ds(start, TPW)], idx_v)
        pltpu.async_copy(yg_hbm.at[idx_v], rows_v, sem).wait()
        pltpu.sync_copy(rows_v, oa_hbm.at[pl.ds(start, TPW)])
        pltpu.sync_copy(pos_b_hbm.at[pl.ds(start, TPW)], idx_v)
        pltpu.async_copy(yg_hbm.at[idx_v], rows_v, sem).wait()
        pltpu.sync_copy(rows_v, ob_hbm.at[pl.ds(start, TPW)])

    return _sc_gather


def _combine_body(a_ref, b_ref, wt_ref, o_ref):
    ya = _unpack(a_ref[...]).astype(jnp.float32)
    yb = _unpack(b_ref[...]).astype(jnp.float32)
    o_ref[...] = jnp.transpose(
        wt_ref[:, 0:1] * ya + wt_ref[:, 1:2] * yb, (1, 0))


def _combine(ya, yb, wt):
    blk = 512
    return pl.pallas_call(
        _combine_body,
        grid=(T // blk,),
        in_specs=[
            pl.BlockSpec((blk, DP), lambda i: (i, 0)),
            pl.BlockSpec((blk, DP), lambda i: (i, 0)),
            pl.BlockSpec((blk, 2), lambda i: (i, 0)),
        ],
        out_specs=pl.BlockSpec((D, blk), lambda i: (0, i)),
        out_shape=jax.ShapeDtypeStruct((D, T), jnp.float32),
    )(ya, yb, wt)


def kernel(hidden_states, gate_w, W1, W2, W3):
    ht, pa, pb, wt, be, bv = _router(hidden_states[0], gate_w)
    pos_a = pa.reshape(T)
    pos_b = pb.reshape(T)
    hg = _make_sc_scatter()(ht, pos_a, pos_b)
    yg = _experts(hg, W1, W2, W3, be.reshape(MAXB), bv.reshape(MAXB))
    ya, yb = _make_sc_gather()(yg, pos_a, pos_b)
    return _combine(ya, yb, wt)[None]

# --- scband reference (transcript-rebuilt; emitter-appended) ---
"""Pipeline reference for scband-moe-mlp-18897856103233 (READ-ONLY COPY).

The authoritative reference and input builder live on the scoring server;
editing this copy changes nothing except your own understanding.
"""

import jax, jax.numpy as jnp
import numpy as np

NUM_EXPERTS = 8
TOP_K = 2
D_MODEL = 768
FFN = 768
SEQ = 2048


def setup_inputs(seed: int = 0) -> dict:
    key = jax.random.key(seed)
    ks = jax.random.split(key, 5)
    hidden_states = jax.random.normal(ks[0], (1, D_MODEL, SEQ), dtype=jnp.float32)
    gate_w = jax.random.normal(ks[1], (NUM_EXPERTS, D_MODEL), dtype=jnp.float32) * 0.02
    W1 = jax.random.normal(ks[2], (NUM_EXPERTS, FFN, D_MODEL), dtype=jnp.float32) * 0.02
    W2 = jax.random.normal(ks[3], (NUM_EXPERTS, D_MODEL, FFN), dtype=jnp.float32) * 0.02
    W3 = jax.random.normal(ks[4], (NUM_EXPERTS, FFN, D_MODEL), dtype=jnp.float32) * 0.02
    return {"hidden_states": hidden_states, "gate_w": gate_w, "W1": W1, "W2": W2, "W3": W3}


def _moe_forward(x, gate_w, W1, W2, W3):
    b = x.shape[0]
    c = x.shape[1]
    space = x.shape[2:]
    # permute (b, c, s) -> (b, s, c) and flatten tokens
    h = jnp.transpose(x, (0, 2, 1)).reshape(-1, c)
    router_logits = h @ gate_w.T
    routing_weights = jax.nn.softmax(router_logits.astype(jnp.float32), axis=1)
    top_w, top_i = jax.lax.top_k(routing_weights, TOP_K)
    top_w = top_w / jnp.sum(top_w, axis=1, keepdims=True)
    top_w = top_w.astype(h.dtype)
    final = jnp.zeros_like(h)
    for e in range(NUM_EXPERTS):
        # combine weight for this expert (0 for tokens that did not route here);
        # mathematically identical to the torch gather/index_add_ formulation
        sel = (top_i == e).astype(h.dtype)
        w_e = jnp.sum(top_w * sel, axis=1)
        inter = jax.nn.gelu(h @ W1[e].T, approximate=False) * (h @ W3[e].T)
        out_e = inter @ W2[e].T
        final = final + out_e * w_e[:, None]
    out = final.reshape(b, space[0], c)
    return jnp.transpose(out, (0, 2, 1))


def reference(hidden_states, gate_w, W1, W2, W3):
    return _moe_forward(hidden_states, gate_w, W1, W2, W3)

if __name__ == "__main__":
    import jax
    _d = setup_inputs()
    print(jax.jit(kernel)(*tuple(_d.values())))

</pallas_src>

<mosaic_0001>
#map = affine_map<(d0, d1) -> (0, 0)>
#map1 = affine_map<(d0, d1) -> (0)>
module attributes {stable_mosaic.version = 14 : i64} {
  func.func @_sc_gather(%arg0: i32, %arg1: i32, %arg2: memref<7680x384xi32, #tpu.memory_space<hbm>>, %arg3: memref<2048xi32, #tpu.memory_space<hbm>>, %arg4: memref<2048xi32, #tpu.memory_space<hbm>>, %arg5: memref<2048x384xi32, #tpu.memory_space<hbm>>, %arg6: memref<2048x384xi32, #tpu.memory_space<hbm>>, %arg7: memref<64xi32, #tpu.memory_space<vmem>>, %arg8: memref<64x384xi32, #tpu.memory_space<vmem>>, %arg9: memref<!tpu.dma_semaphore, #tpu.memory_space<semaphore_mem>>) attributes {dimension_semantics = [#tpu.dimension_semantics<core_parallel>, #tpu.dimension_semantics<subcore_parallel>], iteration_bounds = array<i64: 2, 16>, scalar_prefetch = 0 : i64, scratch_operands = 3 : i64, tpu.core_type = #tpu.core_type<sc_vector_subcore>, window_params = [{transform_indices = #map}, {transform_indices = #map1}, {transform_indices = #map1}, {transform_indices = #map}, {transform_indices = #map}]} {
    %mul3A = arith.constant 2 : i32
    %mul3A_0 = arith.muli %arg1, %mul3A : i32
    %add3A = arith.addi %mul3A_0, %arg0 : i32
    %mul3A_1 = arith.constant 64 : i32
    %mul3A_2 = arith.muli %add3A, %mul3A_1 : i32
    "tpu.region"() ({
      %run_scoped3A = tpu.sem_alloc : memref<!tpu.dma_semaphore, #tpu.memory_space<semaphore_mem>>
      %dma_start3A_13 = tpu.memref_slice %arg3[%mul3A_2] : memref<2048xi32, #tpu.memory_space<hbm>> -> memref<64xi32, #tpu.memory_space<hbm>>
      %dma_start3A_14 = tpu.memref_slice %arg3[%mul3A_2] : memref<2048xi32, #tpu.memory_space<hbm>> -> memref<64xi32, #tpu.memory_space<hbm>>
      tpu.enqueue_dma source(%dma_start3A_14 : memref<64xi32, #tpu.memory_space<hbm>>) target(%arg7 : memref<64xi32, #tpu.memory_space<vmem>>) target_semaphore(%run_scoped3A : memref<!tpu.dma_semaphore, #tpu.memory_space<semaphore_mem>>)
      %dma_wait3A_15 = tpu.memref_slice %arg3[%mul3A_2] : memref<2048xi32, #tpu.memory_space<hbm>> -> memref<64xi32, #tpu.memory_space<hbm>>
      %dma_wait3A_16 = tpu.memref_slice %arg3[%mul3A_2] : memref<2048xi32, #tpu.memory_space<hbm>> -> memref<64xi32, #tpu.memory_space<hbm>>
      tpu.wait_dma2 semaphore(%run_scoped3A : memref<!tpu.dma_semaphore, #tpu.memory_space<semaphore_mem>>) src(%dma_wait3A_16 : memref<64xi32, #tpu.memory_space<hbm>>) dst(%arg7 : memref<64xi32, #tpu.memory_space<vmem>>)
      tpu.yield
    }) : () -> ()
    %dma_start3A = arith.constant 0 : i32
    %dma_start3A_3 = arith.constant 0 : i32
    %dma_start3A_4 = tpu.memref_slice %arg2[%dma_start3A, %dma_start3A_3] : memref<7680x384xi32, #tpu.memory_space<hbm>> -> memref<7680x384xi32, #tpu.memory_space<hbm>>
    tpu.enqueue_indirect_dma source(%dma_start3A_4 : memref<7680x384xi32, #tpu.memory_space<hbm>>) target(%arg8 : memref<64x384xi32, #tpu.memory_space<vmem>>) offsets(%arg7 : memref<64xi32, #tpu.memory_space<vmem>>) semaphore(%arg9 : memref<!tpu.dma_semaphore, #tpu.memory_space<semaphore_mem>>)
    %dma_wait3A = arith.constant 0 : i32
    %dma_wait3A_5 = arith.constant 0 : i32
    %dma_wait3A_6 = tpu.memref_slice %arg2[%dma_wait3A, %dma_wait3A_5] : memref<7680x384xi32, #tpu.memory_space<hbm>> -> memref<7680x384xi32, #tpu.memory_space<hbm>>
    tpu.wait_indirect_dma semaphore(%arg9 : memref<!tpu.dma_semaphore, #tpu.memory_space<semaphore_mem>>) src(%dma_wait3A_6 : memref<7680x384xi32, #tpu.memory_space<hbm>>) dst(%arg8 : memref<64x384xi32, #tpu.memory_space<vmem>>)
    "tpu.region"() ({
      %run_scoped3A = tpu.sem_alloc : memref<!tpu.dma_semaphore, #tpu.memory_space<semaphore_mem>>
      %dma_start3A_13 = arith.constant 0 : i32
      %dma_start3A_14 = tpu.memref_slice %arg5[%mul3A_2, %dma_start3A_13] : memref<2048x384xi32, #tpu.memory_space<hbm>> -> memref<64x384xi32, #tpu.memory_space<hbm>>
      %dma_start3A_15 = arith.constant 0 : i32
      %dma_start3A_16 = tpu.memref_slice %arg5[%mul3A_2, %dma_start3A_15] : memref<2048x384xi32, #tpu.memory_space<hbm>> -> memref<64x384xi32, #tpu.memory_space<hbm>>
      tpu.enqueue_dma source(%arg8 : memref<64x384xi32, #tpu.memory_space<vmem>>) target(%dma_start3A_16 : memref<64x384xi32, #tpu.memory_space<hbm>>) target_semaphore(%run_scoped3A : memref<!tpu.dma_semaphore, #tpu.memory_space<semaphore_mem>>)
      %dma_wait3A_17 = arith.constant 0 : i32
      %dma_wait3A_18 = tpu.memref_slice %arg5[%mul3A_2, %dma_wait3A_17] : memref<2048x384xi32, #tpu.memory_space<hbm>> -> memref<64x384xi32, #tpu.memory_space<hbm>>
      %dma_wait3A_19 = arith.constant 0 : i32
      %dma_wait3A_20 = tpu.memref_slice %arg5[%mul3A_2, %dma_wait3A_19] : memref<2048x384xi32, #tpu.memory_space<hbm>> -> memref<64x384xi32, #tpu.memory_space<hbm>>
      tpu.wait_dma2 semaphore(%run_scoped3A : memref<!tpu.dma_semaphore, #tpu.memory_space<semaphore_mem>>) src(%arg8 : memref<64x384xi32, #tpu.memory_space<vmem>>) dst(%dma_wait3A_20 : memref<64x384xi32, #tpu.memory_space<hbm>>)
      tpu.yield
    }) : () -> ()
    "tpu.region"() ({
      %run_scoped3A = tpu.sem_alloc : memref<!tpu.dma_semaphore, #tpu.memory_space<semaphore_mem>>
      %dma_start3A_13 = tpu.memref_slice %arg4[%mul3A_2] : memref<2048xi32, #tpu.memory_space<hbm>> -> memref<64xi32, #tpu.memory_space<hbm>>
      %dma_start3A_14 = tpu.memref_slice %arg4[%mul3A_2] : memref<2048xi32, #tpu.memory_space<hbm>> -> memref<64xi32, #tpu.memory_space<hbm>>
      tpu.enqueue_dma source(%dma_start3A_14 : memref<64xi32, #tpu.memory_space<hbm>>) target(%arg7 : memref<64xi32, #tpu.memory_space<vmem>>) target_semaphore(%run_scoped3A : memref<!tpu.dma_semaphore, #tpu.memory_space<semaphore_mem>>)
      %dma_wait3A_15 = tpu.memref_slice %arg4[%mul3A_2] : memref<2048xi32, #tpu.memory_space<hbm>> -> memref<64xi32, #tpu.memory_space<hbm>>
      %dma_wait3A_16 = tpu.memref_slice %arg4[%mul3A_2] : memref<2048xi32, #tpu.memory_space<hbm>> -> memref<64xi32, #tpu.memory_space<hbm>>
      tpu.wait_dma2 semaphore(%run_scoped3A : memref<!tpu.dma_semaphore, #tpu.memory_space<semaphore_mem>>) src(%dma_wait3A_16 : memref<64xi32, #tpu.memory_space<hbm>>) dst(%arg7 : memref<64xi32, #tpu.memory_space<vmem>>)
      tpu.yield
    }) : () -> ()
    %dma_start3A_7 = arith.constant 0 : i32
    %dma_start3A_8 = arith.constant 0 : i32
    %dma_start3A_9 = tpu.memref_slice %arg2[%dma_start3A_7, %dma_start3A_8] : memref<7680x384xi32, #tpu.memory_space<hbm>> -> memref<7680x384xi32, #tpu.memory_space<hbm>>
    tpu.enqueue_indirect_dma source(%dma_start3A_9 : memref<7680x384xi32, #tpu.memory_space<hbm>>) target(%arg8 : memref<64x384xi32, #tpu.memory_space<vmem>>) offsets(%arg7 : memref<64xi32, #tpu.memory_space<vmem>>) semaphore(%arg9 : memref<!tpu.dma_semaphore, #tpu.memory_space<semaphore_mem>>)
    %dma_wait3A_10 = arith.constant 0 : i32
    %dma_wait3A_11 = arith.constant 0 : i32
    %dma_wait3A_12 = tpu.memref_slice %arg2[%dma_wait3A_10, %dma_wait3A_11] : memref<7680x384xi32, #tpu.memory_space<hbm>> -> memref<7680x384xi32, #tpu.memory_space<hbm>>
    tpu.wait_indirect_dma semaphore(%arg9 : memref<!tpu.dma_semaphore, #tpu.memory_space<semaphore_mem>>) src(%dma_wait3A_12 : memref<7680x384xi32, #tpu.memory_space<hbm>>) dst(%arg8 : memref<64x384xi32, #tpu.memory_space<vmem>>)
    "tpu.region"() ({
      %run_scoped3A = tpu.sem_alloc : memref<!tpu.dma_semaphore, #tpu.memory_space<semaphore_mem>>
      %dma_start3A_13 = arith.constant 0 : i32
      %dma_start3A_14 = tpu.memref_slice %arg6[%mul3A_2, %dma_start3A_13] : memref<2048x384xi32, #tpu.memory_space<hbm>> -> memref<64x384xi32, #tpu.memory_space<hbm>>
      %dma_start3A_15 = arith.constant 0 : i32
      %dma_start3A_16 = tpu.memref_slice %arg6[%mul3A_2, %dma_start3A_15] : memref<2048x384xi32, #tpu.memory_space<hbm>> -> memref<64x384xi32, #tpu.memory_space<hbm>>
      tpu.enqueue_dma source(%arg8 : memref<64x384xi32, #tpu.memory_space<vmem>>) target(%dma_start3A_16 : memref<64x384xi32, #tpu.memory_space<hbm>>) target_semaphore(%run_scoped3A : memref<!tpu.dma_semaphore, #tpu.memory_space<semaphore_mem>>)
      %dma_wait3A_17 = arith.constant 0 : i32
      %dma_wait3A_18 = tpu.memref_slice %arg6[%mul3A_2, %dma_wait3A_17] : memref<2048x384xi32, #tpu.memory_space<hbm>> -> memref<64x384xi32, #tpu.memory_space<hbm>>
      %dma_wait3A_19 = arith.constant 0 : i32
      %dma_wait3A_20 = tpu.memref_slice %arg6[%mul3A_2, %dma_wait3A_19] : memref<2048x384xi32, #tpu.memory_space<hbm>> -> memref<64x384xi32, #tpu.memory_space<hbm>>
      tpu.wait_dma2 semaphore(%run_scoped3A : memref<!tpu.dma_semaphore, #tpu.memory_space<semaphore_mem>>) src(%arg8 : memref<64x384xi32, #tpu.memory_space<vmem>>) dst(%dma_wait3A_20 : memref<64x384xi32, #tpu.memory_space<hbm>>)
      tpu.yield
    }) : () -> ()
    return
  }
}

#map = affine_map<(d0, d1) -> (0, 0)>
#map1 = affine_map<(d0, d1) -> (0)>
module attributes {stable_mosaic.version = 14 : i64} {
  func.func @_sc_scatter(%arg0: i32, %arg1: i32, %arg2: memref<2048x384xi32, #tpu.memory_space<hbm>>, %arg3: memref<2048xi32, #tpu.memory_space<hbm>>, %arg4: memref<2048xi32, #tpu.memory_space<hbm>>, %arg5: memref<7680x384xi32, #tpu.memory_space<hbm>>, %arg6: memref<64xi32, #tpu.memory_space<vmem>>, %arg7: memref<64xi32, #tpu.memory_space<vmem>>, %arg8: memref<64x384xi32, #tpu.memory_space<vmem>>, %arg9: memref<!tpu.dma_semaphore, #tpu.memory_space<semaphore_mem>>) attributes {dimension_semantics = [#tpu.dimension_semantics<core_parallel>, #tpu.dimension_semantics<subcore_parallel>], iteration_bounds = array<i64: 2, 16>, scalar_prefetch = 0 : i64, scratch_operands = 4 : i64, tpu.core_type = #tpu.core_type<sc_vector_subcore>, window_params = [{transform_indices = #map}, {transform_indices = #map1}, {transform_indices = #map1}, {transform_indices = #map}]} {
    %mul3A = arith.constant 2 : i32
    %mul3A_0 = arith.muli %arg1, %mul3A : i32
    %add3A = arith.addi %mul3A_0, %arg0 : i32
    %mul3A_1 = arith.constant 64 : i32
    %mul3A_2 = arith.muli %add3A, %mul3A_1 : i32
    "tpu.region"() ({
      %run_scoped3A = tpu.sem_alloc : memref<!tpu.dma_semaphore, #tpu.memory_space<semaphore_mem>>
      %dma_start3A_13 = arith.constant 0 : i32
      %dma_start3A_14 = tpu.memref_slice %arg2[%mul3A_2, %dma_start3A_13] : memref<2048x384xi32, #tpu.memory_space<hbm>> -> memref<64x384xi32, #tpu.memory_space<hbm>>
      %dma_start3A_15 = arith.constant 0 : i32
      %dma_start3A_16 = tpu.memref_slice %arg2[%mul3A_2, %dma_start3A_15] : memref<2048x384xi32, #tpu.memory_space<hbm>> -> memref<64x384xi32, #tpu.memory_space<hbm>>
      tpu.enqueue_dma source(%dma_start3A_16 : memref<64x384xi32, #tpu.memory_space<hbm>>) target(%arg8 : memref<64x384xi32, #tpu.memory_space<vmem>>) target_semaphore(%run_scoped3A : memref<!tpu.dma_semaphore, #tpu.memory_space<semaphore_mem>>)
      %dma_wait3A_17 = arith.constant 0 : i32
      %dma_wait3A_18 = tpu.memref_slice %arg2[%mul3A_2, %dma_wait3A_17] : memref<2048x384xi32, #tpu.memory_space<hbm>> -> memref<64x384xi32, #tpu.memory_space<hbm>>
      %dma_wait3A_19 = arith.constant 0 : i32
      %dma_wait3A_20 = tpu.memref_slice %arg2[%mul3A_2, %dma_wait3A_19] : memref<2048x384xi32, #tpu.memory_space<hbm>> -> memref<64x384xi32, #tpu.memory_space<hbm>>
      tpu.wait_dma2 semaphore(%run_scoped3A : memref<!tpu.dma_semaphore, #tpu.memory_space<semaphore_mem>>) src(%dma_wait3A_20 : memref<64x384xi32, #tpu.memory_space<hbm>>) dst(%arg8 : memref<64x384xi32, #tpu.memory_space<vmem>>)
      tpu.yield
    }) : () -> ()
    "tpu.region"() ({
      %run_scoped3A = tpu.sem_alloc : memref<!tpu.dma_semaphore, #tpu.memory_space<semaphore_mem>>
      %dma_start3A_13 = tpu.memref_slice %arg3[%mul3A_2] : memref<2048xi32, #tpu.memory_space<hbm>> -> memref<64xi32, #tpu.memory_space<hbm>>
      %dma_start3A_14 = tpu.memref_slice %arg3[%mul3A_2] : memref<2048xi32, #tpu.memory_space<hbm>> -> memref<64xi32, #tpu.memory_space<hbm>>
      tpu.enqueue_dma source(%dma_start3A_14 : memref<64xi32, #tpu.memory_space<hbm>>) target(%arg6 : memref<64xi32, #tpu.memory_space<vmem>>) target_semaphore(%run_scoped3A : memref<!tpu.dma_semaphore, #tpu.memory_space<semaphore_mem>>)
      %dma_wait3A_15 = tpu.memref_slice %arg3[%mul3A_2] : memref<2048xi32, #tpu.memory_space<hbm>> -> memref<64xi32, #tpu.memory_space<hbm>>
      %dma_wait3A_16 = tpu.memref_slice %arg3[%mul3A_2] : memref<2048xi32, #tpu.memory_space<hbm>> -> memref<64xi32, #tpu.memory_space<hbm>>
      tpu.wait_dma2 semaphore(%run_scoped3A : memref<!tpu.dma_semaphore, #tpu.memory_space<semaphore_mem>>) src(%dma_wait3A_16 : memref<64xi32, #tpu.memory_space<hbm>>) dst(%arg6 : memref<64xi32, #tpu.memory_space<vmem>>)
      tpu.yield
    }) : () -> ()
    "tpu.region"() ({
      %run_scoped3A = tpu.sem_alloc : memref<!tpu.dma_semaphore, #tpu.memory_space<semaphore_mem>>
      %dma_start3A_13 = tpu.memref_slice %arg4[%mul3A_2] : memref<2048xi32, #tpu.memory_space<hbm>> -> memref<64xi32, #tpu.memory_space<hbm>>
      %dma_start3A_14 = tpu.memref_slice %arg4[%mul3A_2] : memref<2048xi32, #tpu.memory_space<hbm>> -> memref<64xi32, #tpu.memory_space<hbm>>
      tpu.enqueue_dma source(%dma_start3A_14 : memref<64xi32, #tpu.memory_space<hbm>>) target(%arg7 : memref<64xi32, #tpu.memory_space<vmem>>) target_semaphore(%run_scoped3A : memref<!tpu.dma_semaphore, #tpu.memory_space<semaphore_mem>>)
      %dma_wait3A_15 = tpu.memref_slice %arg4[%mul3A_2] : memref<2048xi32, #tpu.memory_space<hbm>> -> memref<64xi32, #tpu.memory_space<hbm>>
      %dma_wait3A_16 = tpu.memref_slice %arg4[%mul3A_2] : memref<2048xi32, #tpu.memory_space<hbm>> -> memref<64xi32, #tpu.memory_space<hbm>>
      tpu.wait_dma2 semaphore(%run_scoped3A : memref<!tpu.dma_semaphore, #tpu.memory_space<semaphore_mem>>) src(%dma_wait3A_16 : memref<64xi32, #tpu.memory_space<hbm>>) dst(%arg7 : memref<64xi32, #tpu.memory_space<vmem>>)
      tpu.yield
    }) : () -> ()
    %dma_start3A = arith.constant 0 : i32
    %dma_start3A_3 = arith.constant 0 : i32
    %dma_start3A_4 = tpu.memref_slice %arg5[%dma_start3A, %dma_start3A_3] : memref<7680x384xi32, #tpu.memory_space<hbm>> -> memref<7680x384xi32, #tpu.memory_space<hbm>>
    tpu.enqueue_indirect_dma source(%arg8 : memref<64x384xi32, #tpu.memory_space<vmem>>) target(%dma_start3A_4 : memref<7680x384xi32, #tpu.memory_space<hbm>>) offsets(%arg6 : memref<64xi32, #tpu.memory_space<vmem>>) semaphore(%arg9 : memref<!tpu.dma_semaphore, #tpu.memory_space<semaphore_mem>>)
    %dma_wait3A = arith.constant 0 : i32
    %dma_wait3A_5 = arith.constant 0 : i32
    %dma_wait3A_6 = tpu.memref_slice %arg5[%dma_wait3A, %dma_wait3A_5] : memref<7680x384xi32, #tpu.memory_space<hbm>> -> memref<7680x384xi32, #tpu.memory_space<hbm>>
    tpu.wait_indirect_dma semaphore(%arg9 : memref<!tpu.dma_semaphore, #tpu.memory_space<semaphore_mem>>) src(%arg8 : memref<64x384xi32, #tpu.memory_space<vmem>>) dst(%dma_wait3A_6 : memref<7680x384xi32, #tpu.memory_space<hbm>>)
    %dma_start3A_7 = arith.constant 0 : i32
    %dma_start3A_8 = arith.constant 0 : i32
    %dma_start3A_9 = tpu.memref_slice %arg5[%dma_start3A_7, %dma_start3A_8] : memref<7680x384xi32, #tpu.memory_space<hbm>> -> memref<7680x384xi32, #tpu.memory_space<hbm>>
    tpu.enqueue_indirect_dma source(%arg8 : memref<64x384xi32, #tpu.memory_space<vmem>>) target(%dma_start3A_9 : memref<7680x384xi32, #tpu.memory_space<hbm>>) offsets(%arg7 : memref<64xi32, #tpu.memory_space<vmem>>) semaphore(%arg9 : memref<!tpu.dma_semaphore, #tpu.memory_space<semaphore_mem>>)
    %dma_wait3A_10 = arith.constant 0 : i32
    %dma_wait3A_11 = arith.constant 0 : i32
    %dma_wait3A_12 = tpu.memref_slice %arg5[%dma_wait3A_10, %dma_wait3A_11] : memref<7680x384xi32, #tpu.memory_space<hbm>> -> memref<7680x384xi32, #tpu.memory_space<hbm>>
    tpu.wait_indirect_dma semaphore(%arg9 : memref<!tpu.dma_semaphore, #tpu.memory_space<semaphore_mem>>) src(%arg8 : memref<64x384xi32, #tpu.memory_space<vmem>>) dst(%dma_wait3A_12 : memref<7680x384xi32, #tpu.memory_space<hbm>>)
    return
  }
}

module attributes {stable_mosaic.version = 14 : i64} {
  func.func @_expert_body(%arg0: i32, %arg1: memref<15xi32, #tpu.memory_space<smem>>, %arg2: memref<15xi32, #tpu.memory_space<smem>>, %arg3: memref<512x384xi32, #tpu.memory_space<vmem>>, %arg4: memref<1x768x768xf32, #tpu.memory_space<vmem>>, %arg5: memref<1x768x768xf32, #tpu.memory_space<vmem>>, %arg6: memref<1x768x768xf32, #tpu.memory_space<vmem>>, %arg7: memref<512x384xi32, #tpu.memory_space<vmem>>) attributes {dimension_semantics = [#tpu.dimension_semantics<arbitrary>], iteration_bounds = array<i64: 15>, scalar_prefetch = 2 : i64, scratch_operands = 0 : i64, tpu.core_type = #tpu.core_type<tc>, window_params = [{transform_indices = @transform_0, window_bounds = array<i64: 512, 384>}, {transform_indices = @transform_1, window_bounds = array<i64: 1, 768, 768>}, {transform_indices = @transform_2, window_bounds = array<i64: 1, 768, 768>}, {transform_indices = @transform_3, window_bounds = array<i64: 1, 768, 768>}, {transform_indices = @transform_4, window_bounds = array<i64: 512, 384>}]} {
    %get3A = arith.index_cast %arg0 : i32 to index
    %get3A_0 = memref.load %arg2[%get3A] : memref<15xi32, #tpu.memory_space<smem>>
    %ne3A = arith.constant 0 : i32
    %ne3A_1 = arith.cmpi ne, %get3A_0, %ne3A : i32
    %convert_element_type3A = arith.extui %ne3A_1 : i1 to i32
    %cond3A = arith.constant 0 : i32
    %cond3A_2 = arith.cmpi ne, %convert_element_type3A, %cond3A : i32
    scf.if %cond3A_2 {
      %get3A_3 = arith.constant 0 : index
      %get3A_4 = arith.constant 0 : index
      %get3A_5 = vector.load %arg3[%get3A_3, %get3A_4] : memref<512x384xi32, #tpu.memory_space<vmem>>, vector<512x384xi32>
      %bitcast_convert_type3A = tpu.bitcast %get3A_5 : vector<512x384xi32> -> vector<512x384xi32>
      %and3A = arith.constant 65535 : i32
      %and3A_6 = vector.broadcast %and3A : i32 to vector<512x384xi32>
      %and3A_7 = arith.andi %bitcast_convert_type3A, %and3A_6 : vector<512x384xi32>
      %convert_element_type3A_8 = arith.trunci %and3A_7 : vector<512x384xi32> to vector<512x384xi16>
      %bitcast_convert_type3A_9 = tpu.bitcast %convert_element_type3A_8 : vector<512x384xi16> -> vector<512x384xbf16>
      %shift_right_logical3A = arith.constant 16 : i32
      %shift_right_logical3A_10 = vector.broadcast %shift_right_logical3A : i32 to vector<512x384xi32>
      %shift_right_logical3A_11 = arith.shrui %bitcast_convert_type3A, %shift_right_logical3A_10 : vector<512x384xi32>
      %convert_element_type3A_12 = arith.trunci %shift_right_logical3A_11 : vector<512x384xi32> to vector<512x384xi16>
      %bitcast_convert_type3A_13 = tpu.bitcast %convert_element_type3A_12 : vector<512x384xi16> -> vector<512x384xbf16>
      %concatenate3A = tpu.concatenate %bitcast_convert_type3A_9, %bitcast_convert_type3A_13 in 1 : vector<512x384xbf16>, vector<512x384xbf16> -> vector<512x768xbf16>
      %get3A_14 = arith.constant 0 : index
      %get3A_15 = arith.constant 0 : index
      %get3A_16 = arith.constant 0 : index
      %get3A_17 = vector.load %arg4[%get3A_14, %get3A_15, %get3A_16] : memref<1x768x768xf32, #tpu.memory_space<vmem>>, vector<1x768x768xf32>
      %get3A_18 = vector.shape_cast %get3A_17 : vector<1x768x768xf32> to vector<768x768xf32>
      %convert_element_type3A_19 = arith.truncf %get3A_18 : vector<768x768xf32> to vector<768x768xbf16>
      %get3A_20 = arith.constant 0 : index
      %get3A_21 = arith.constant 0 : index
      %get3A_22 = arith.constant 0 : index
      %get3A_23 = vector.load %arg5[%get3A_20, %get3A_21, %get3A_22] : memref<1x768x768xf32, #tpu.memory_space<vmem>>, vector<1x768x768xf32>
      %get3A_24 = vector.shape_cast %get3A_23 : vector<1x768x768xf32> to vector<768x768xf32>
      %convert_element_type3A_25 = arith.truncf %get3A_24 : vector<768x768xf32> to vector<768x768xbf16>
      %get3A_26 = arith.constant 0 : index
      %get3A_27 = arith.constant 0 : index
      %get3A_28 = arith.constant 0 : index
      %get3A_29 = vector.load %arg6[%get3A_26, %get3A_27, %get3A_28] : memref<1x768x768xf32, #tpu.memory_space<vmem>>, vector<1x768x768xf32>
      %get3A_30 = vector.shape_cast %get3A_29 : vector<1x768x768xf32> to vector<768x768xf32>
      %convert_element_type3A_31 = arith.truncf %get3A_30 : vector<768x768xf32> to vector<768x768xbf16>
      %dot_general3A = arith.constant dense<0.000000e+00> : vector<512x768xf32>
      %dot_general3A_32 = tpu.matmul %concatenate3A, %convert_element_type3A_19, %dot_general3A {dimension_numbers = #tpu.dot_dimension_numbers<[1], [1], [0], [0], [0, 0, 1, 0], [], []>, transpose_lhs_hint = false} : vector<512x768xbf16>, vector<768x768xbf16>, vector<512x768xf32> -> vector<512x768xf32>
      %dot_general3A_33 = arith.constant dense<0.000000e+00> : vector<512x768xf32>
      %dot_general3A_34 = tpu.matmul %concatenate3A, %convert_element_type3A_25, %dot_general3A_33 {dimension_numbers = #tpu.dot_dimension_numbers<[1], [1], [0], [0], [0, 0, 1, 0], [], []>, transpose_lhs_hint = false} : vector<512x768xbf16>, vector<768x768xbf16>, vector<512x768xf32> -> vector<512x768xf32>
      %mul3A = arith.constant 5.000000e-01 : f32
      %mul3A_35 = vector.broadcast %mul3A : f32 to vector<512x768xf32>
      %mul3A_36 = arith.mulf %mul3A_35, %dot_general3A_32 : vector<512x768xf32>
      %mul3A_37 = arith.constant 0.707106769 : f32
      %mul3A_38 = vector.broadcast %mul3A_37 : f32 to vector<512x768xf32>
      %mul3A_39 = arith.mulf %dot_general3A_32, %mul3A_38 : vector<512x768xf32>
      %erf3A = math.erf %mul3A_39 : vector<512x768xf32>
      %add3A = arith.constant 1.000000e+00 : f32
      %add3A_40 = vector.broadcast %add3A : f32 to vector<512x768xf32>
      %add3A_41 = arith.addf %add3A_40, %erf3A : vector<512x768xf32>
      %mul3A_42 = arith.mulf %mul3A_36, %add3A_41 : vector<512x768xf32>
      %mul3A_43 = arith.mulf %mul3A_42, %dot_general3A_34 : vector<512x768xf32>
      %convert_element_type3A_44 = arith.truncf %mul3A_43 : vector<512x768xf32> to vector<512x768xbf16>
      %dot_general3A_45 = arith.constant dense<0.000000e+00> : vector<512x768xf32>
      %dot_general3A_46 = tpu.matmul %convert_element_type3A_44, %convert_element_type3A_31, %dot_general3A_45 {dimension_numbers = #tpu.dot_dimension_numbers<[1], [1], [0], [0], [0, 0, 1, 0], [], []>, transpose_lhs_hint = false} : vector<512x768xbf16>, vector<768x768xbf16>, vector<512x768xf32> -> vector<512x768xf32>
      %convert_element_type3A_47 = arith.truncf %dot_general3A_46 : vector<512x768xf32> to vector<512x768xbf16>
      %bitcast_convert_type3A_48 = tpu.bitcast %convert_element_type3A_47 : vector<512x768xbf16> -> vector<512x768xi16>
      %slice3A = vector.extract_strided_slice %bitcast_convert_type3A_48 {offsets = [0, 0], sizes = [512, 384], strides = [1, 1]} : vector<512x768xi16> to vector<512x384xi16>
      %convert_element_type3A_49 = arith.extui %slice3A : vector<512x384xi16> to vector<512x384xi32>
      %slice3A_50 = vector.extract_strided_slice %bitcast_convert_type3A_48 {offsets = [0, 384], sizes = [512, 384], strides = [1, 1]} : vector<512x768xi16> to vector<512x384xi16>
      %convert_element_type3A_51 = arith.extui %slice3A_50 : vector<512x384xi16> to vector<512x384xi32>
      %shift_left3A = arith.constant 16 : i32
      %shift_left3A_52 = vector.broadcast %shift_left3A : i32 to vector<512x384xi32>
      %shift_left3A_53 = arith.shli %convert_element_type3A_51, %shift_left3A_52 : vector<512x384xi32>
      %or3A = arith.ori %convert_element_type3A_49, %shift_left3A_53 : vector<512x384xi32>
      %bitcast_convert_type3A_54 = tpu.bitcast %or3A : vector<512x384xi32> -> vector<512x384xi32>
      %swap3A = arith.constant 0 : index
      %swap3A_55 = arith.constant 0 : index
      %swap3A_56 = vector.load %arg7[%swap3A, %swap3A_55] : memref<512x384xi32, #tpu.memory_space<vmem>>, vector<512x384xi32>
      tpu.vector_store %arg7[%swap3A, %swap3A_55], %bitcast_convert_type3A_54 {strides = array<i32>} : memref<512x384xi32, #tpu.memory_space<vmem>>, vector<512x384xi32>,
    } else {
    }
    return
  }
  func.func @transform_0(%arg0: i32, %arg1: memref<15xi32, #tpu.memory_space<smem>>, %arg2: memref<15xi32, #tpu.memory_space<smem>>) -> (i32, i32) {
    %c0_i32 = arith.constant 0 : i32
    %c0_i32_0 = arith.constant 0 : i32
    return %arg0, %c0_i32 : i32, i32
  }
  func.func @transform_1(%arg0: i32, %arg1: memref<15xi32, #tpu.memory_space<smem>>, %arg2: memref<15xi32, #tpu.memory_space<smem>>) -> (i32, i32, i32) {
    %get3A = arith.index_cast %arg0 : i32 to index
    %get3A_0 = memref.load %arg1[%get3A] : memref<15xi32, #tpu.memory_space<smem>>
    %c0_i32 = arith.constant 0 : i32
    %c0_i32_1 = arith.constant 0 : i32
    %c0_i32_2 = arith.constant 0 : i32
    return %get3A_0, %c0_i32, %c0_i32_1 : i32, i32, i32
  }
  func.func @transform_2(%arg0: i32, %arg1: memref<15xi32, #tpu.memory_space<smem>>, %arg2: memref<15xi32, #tpu.memory_space<smem>>) -> (i32, i32, i32) {
    %get3A = arith.index_cast %arg0 : i32 to index
    %get3A_0 = memref.load %arg1[%get3A] : memref<15xi32, #tpu.memory_space<smem>>
    %c0_i32 = arith.constant 0 : i32
    %c0_i32_1 = arith.constant 0 : i32
    %c0_i32_2 = arith.constant 0 : i32
    return %get3A_0, %c0_i32, %c0_i32_1 : i32, i32, i32
  }
  func.func @transform_3(%arg0: i32, %arg1: memref<15xi32, #tpu.memory_space<smem>>, %arg2: memref<15xi32, #tpu.memory_space<smem>>) -> (i32, i32, i32) {
    %get3A = arith.index_cast %arg0 : i32 to index
    %get3A_0 = memref.load %arg1[%get3A] : memref<15xi32, #tpu.memory_space<smem>>
    %c0_i32 = arith.constant 0 : i32
    %c0_i32_1 = arith.constant 0 : i32
    %c0_i32_2 = arith.constant 0 : i32
    return %get3A_0, %c0_i32, %c0_i32_1 : i32, i32, i32
  }
  func.func @transform_4(%arg0: i32, %arg1: memref<15xi32, #tpu.memory_space<smem>>, %arg2: memref<15xi32, #tpu.memory_space<smem>>) -> (i32, i32) {
    %c0_i32 = arith.constant 0 : i32
    %c0_i32_0 = arith.constant 0 : i32
    return %arg0, %c0_i32 : i32, i32
  }
}

module attributes {stable_mosaic.version = 14 : i64} {
  func.func @_router_body(%arg0: memref<768x2048xf32, #tpu.memory_space<vmem>>, %arg1: memref<8x768xf32, #tpu.memory_space<vmem>>, %arg2: memref<2048x384xi32, #tpu.memory_space<vmem>>, %arg3: memref<1x2048xi32, #tpu.memory_space<vmem>>, %arg4: memref<1x2048xi32, #tpu.memory_space<vmem>>, %arg5: memref<2048x2xf32, #tpu.memory_space<vmem>>, %arg6: memref<1x15xi32, #tpu.memory_space<vmem>>, %arg7: memref<1x15xi32, #tpu.memory_space<vmem>>) attributes {dimension_semantics = [], scalar_prefetch = 0 : i64, scratch_operands = 0 : i64, tpu.core_type = #tpu.core_type<tc>} {
    %get3A = arith.constant 0 : index
    %get3A_0 = arith.constant 0 : index
    %get3A_1 = vector.load %arg0[%get3A, %get3A_0] : memref<768x2048xf32, #tpu.memory_space<vmem>>, vector<768x2048xf32>
    %get3A_2 = arith.constant 0 : index
    %get3A_3 = arith.constant 0 : index
    %get3A_4 = vector.load %arg1[%get3A_2, %get3A_3] : memref<8x768xf32, #tpu.memory_space<vmem>>, vector<8x768xf32>
    %transpose3A = tpu.transpose %get3A_1, [1, 0] : vector<768x2048xf32> -> vector<2048x768xf32>
    %convert_element_type3A = arith.truncf %transpose3A : vector<2048x768xf32> to vector<2048x768xbf16>
    %bitcast_convert_type3A = tpu.bitcast %convert_element_type3A : vector<2048x768xbf16> -> vector<2048x768xi16>
    %slice3A = vector.extract_strided_slice %bitcast_convert_type3A {offsets = [0, 0], sizes = [2048, 384], strides = [1, 1]} : vector<2048x768xi16> to vector<2048x384xi16>
    %convert_element_type3A_5 = arith.extui %slice3A : vector<2048x384xi16> to vector<2048x384xi32>
    %slice3A_6 = vector.extract_strided_slice %bitcast_convert_type3A {offsets = [0, 384], sizes = [2048, 384], strides = [1, 1]} : vector<2048x768xi16> to vector<2048x384xi16>
    %convert_element_type3A_7 = arith.extui %slice3A_6 : vector<2048x384xi16> to vector<2048x384xi32>
    %shift_left3A = arith.constant 16 : i32
    %shift_left3A_8 = vector.broadcast %shift_left3A : i32 to vector<2048x384xi32>
    %shift_left3A_9 = arith.shli %convert_element_type3A_7, %shift_left3A_8 : vector<2048x384xi32>
    %or3A = arith.ori %convert_element_type3A_5, %shift_left3A_9 : vector<2048x384xi32>
    %bitcast_convert_type3A_10 = tpu.bitcast %or3A : vector<2048x384xi32> -> vector<2048x384xi32>
    %swap3A = arith.constant 0 : index
    %swap3A_11 = arith.constant 0 : index
    %swap3A_12 = vector.load %arg2[%swap3A, %swap3A_11] : memref<2048x384xi32, #tpu.memory_space<vmem>>, vector<2048x384xi32>
    tpu.vector_store %arg2[%swap3A, %swap3A_11], %bitcast_convert_type3A_10 {strides = array<i32>} : memref<2048x384xi32, #tpu.memory_space<vmem>>, vector<2048x384xi32>,
    %dot_general3A = arith.constant dense<0.000000e+00> : vector<2048x8xf32>
    %dot_general3A_13 = tpu.matmul %get3A_1, %get3A_4, %dot_general3A {dimension_numbers = #tpu.dot_dimension_numbers<[0], [1], [1], [0], [0, 1, 1, 0], [], []>, transpose_lhs_hint = false} : vector<768x2048xf32>, vector<8x768xf32>, vector<2048x8xf32> -> vector<2048x8xf32>
    %iota3A = tpu.iota {dimensions = array<i32: 1>} : vector<2048x8xi32>
    %reduce_max3A = arith.constant dense<0xFF800000> : vector<2048xf32>
    %reduce_max3A_14 = vector.multi_reduction <maximumf>, %dot_general3A_13, %reduce_max3A [1] : vector<2048x8xf32> to vector<2048xf32>
    %broadcast_in_dim3A = vector.shape_cast %reduce_max3A_14 : vector<2048xf32> to vector<2048x1xf32>
    %ge3A = vector.broadcast %broadcast_in_dim3A : vector<2048x1xf32> to vector<2048x8xf32>
    %ge3A_15 = arith.cmpf oge, %dot_general3A_13, %ge3A : vector<2048x8xf32>
    %jit3A = arith.constant 8 : i32
    %broadcast_in_dim3A_16 = vector.broadcast %jit3A : i32 to vector<2048x8xi32>
    %select_n3A = arith.select %ge3A_15, %iota3A, %broadcast_in_dim3A_16 : vector<2048x8xi1>, vector<2048x8xi32>
    %reduce_min3A = arith.constant dense<2147483647> : vector<2048xi32>
    %reduce_min3A_17 = vector.multi_reduction <minsi>, %select_n3A, %reduce_min3A [1] : vector<2048x8xi32> to vector<2048xi32>
    %broadcast_in_dim3A_18 = vector.shape_cast %reduce_min3A_17 : vector<2048xi32> to vector<2048x1xi32>
    %eq3A = vector.broadcast %broadcast_in_dim3A_18 : vector<2048x1xi32> to vector<2048x8xi32>
    %eq3A_19 = arith.cmpi eq, %iota3A, %eq3A : vector<2048x8xi32>
    %jit3A_20 = arith.constant 0xFF800000 : f32
    %broadcast_in_dim3A_21 = vector.broadcast %jit3A_20 : f32 to vector<2048x8xf32>
    %select_n3A_22 = arith.select %eq3A_19, %broadcast_in_dim3A_21, %dot_general3A_13 : vector<2048x8xi1>, vector<2048x8xf32>
    %reduce_max3A_23 = arith.constant dense<0xFF800000> : vector<2048xf32>
    %reduce_max3A_24 = vector.multi_reduction <maximumf>, %select_n3A_22, %reduce_max3A_23 [1] : vector<2048x8xf32> to vector<2048xf32>
    %broadcast_in_dim3A_25 = vector.shape_cast %reduce_max3A_24 : vector<2048xf32> to vector<2048x1xf32>
    %ge3A_26 = vector.broadcast %broadcast_in_dim3A_25 : vector<2048x1xf32> to vector<2048x8xf32>
    %ge3A_27 = arith.cmpf oge, %select_n3A_22, %ge3A_26 : vector<2048x8xf32>
    %jit3A_28 = arith.constant 8 : i32
    %broadcast_in_dim3A_29 = vector.broadcast %jit3A_28 : i32 to vector<2048x8xi32>
    %select_n3A_30 = arith.select %ge3A_27, %iota3A, %broadcast_in_dim3A_29 : vector<2048x8xi1>, vector<2048x8xi32>
    %reduce_min3A_31 = arith.constant dense<2147483647> : vector<2048xi32>
    %reduce_min3A_32 = vector.multi_reduction <minsi>, %select_n3A_30, %reduce_min3A_31 [1] : vector<2048x8xi32> to vector<2048xi32>
    %broadcast_in_dim3A_33 = vector.shape_cast %reduce_min3A_32 : vector<2048xi32> to vector<2048x1xi32>
    %eq3A_34 = vector.broadcast %broadcast_in_dim3A_33 : vector<2048x1xi32> to vector<2048x8xi32>
    %eq3A_35 = arith.cmpi eq, %iota3A, %eq3A_34 : vector<2048x8xi32>
    %sub3A = arith.subf %broadcast_in_dim3A_25, %broadcast_in_dim3A : vector<2048x1xf32>
    %exp3A = math.exp %sub3A : vector<2048x1xf32>
    %add3A = arith.constant 1.000000e+00 : f32
    %add3A_36 = vector.broadcast %add3A : f32 to vector<2048x1xf32>
    %add3A_37 = arith.addf %add3A_36, %exp3A : vector<2048x1xf32>
    %div3A = arith.constant 1.000000e+00 : f32
    %div3A_38 = vector.broadcast %div3A : f32 to vector<2048x1xf32>
    %div3A_39 = arith.divf %div3A_38, %add3A_37 : vector<2048x1xf32>
    %swap3A_40 = arith.constant 0 : index
    %swap3A_41 = arith.constant 0 : index
    %swap3A_42 = vector.load %arg5[%swap3A_40, %swap3A_41] : memref<2048x2xf32, #tpu.memory_space<vmem>>, vector<2048x1xf32>
    tpu.vector_store %arg5[%swap3A_40, %swap3A_41], %div3A_39 {strides = array<i32>} : memref<2048x2xf32, #tpu.memory_space<vmem>>, vector<2048x1xf32>,
    %sub3A_43 = arith.constant 1.000000e+00 : f32
    %sub3A_44 = vector.broadcast %sub3A_43 : f32 to vector<2048x1xf32>
    %sub3A_45 = arith.subf %sub3A_44, %div3A_39 : vector<2048x1xf32>
    %swap3A_46 = arith.constant 0 : index
    %swap3A_47 = arith.constant 1 : index
    %swap3A_48 = vector.load %arg5[%swap3A_46, %swap3A_47] : memref<2048x2xf32, #tpu.memory_space<vmem>>, vector<2048x1xf32>
    tpu.vector_store %arg5[%swap3A_46, %swap3A_47], %sub3A_45 {strides = array<i32>} : memref<2048x2xf32, #tpu.memory_space<vmem>>, vector<2048x1xf32>,
    %convert_element_type3A_49 = arith.extui %eq3A_19 : vector<2048x8xi1> to vector<2048x8xi32>
    %convert_element_type3A_50 = arith.sitofp %convert_element_type3A_49 : vector<2048x8xi32> to vector<2048x8xf32>
    %convert_element_type3A_51 = arith.extui %eq3A_35 : vector<2048x8xi1> to vector<2048x8xi32>
    %convert_element_type3A_52 = arith.sitofp %convert_element_type3A_51 : vector<2048x8xi32> to vector<2048x8xf32>
    %add3A_53 = arith.addf %convert_element_type3A_50, %convert_element_type3A_52 : vector<2048x8xf32>
    %broadcast_in_dim3A_54 = arith.constant 0.000000e+00 : f32
    %broadcast_in_dim3A_55 = vector.broadcast %broadcast_in_dim3A_54 : f32 to vector<1x8xf32>
    %slice3A_56 = vector.extract_strided_slice %add3A_53 {offsets = [0, 0], sizes = [2047, 8], strides = [1, 1]} : vector<2048x8xf32> to vector<2047x8xf32>
    %concatenate3A = tpu.concatenate %broadcast_in_dim3A_55, %slice3A_56 in 0 : vector<1x8xf32>, vector<2047x8xf32> -> vector<2048x8xf32>
    %add3A_57 = arith.addf %add3A_53, %concatenate3A : vector<2048x8xf32>
    %broadcast_in_dim3A_58 = arith.constant 0.000000e+00 : f32
    %broadcast_in_dim3A_59 = vector.broadcast %broadcast_in_dim3A_58 : f32 to vector<2x8xf32>
    %slice3A_60 = vector.extract_strided_slice %add3A_57 {offsets = [0, 0], sizes = [2046, 8], strides = [1, 1]} : vector<2048x8xf32> to vector<2046x8xf32>
    %concatenate3A_61 = tpu.concatenate %broadcast_in_dim3A_59, %slice3A_60 in 0 : vector<2x8xf32>, vector<2046x8xf32> -> vector<2048x8xf32>
    %add3A_62 = arith.addf %add3A_57, %concatenate3A_61 : vector<2048x8xf32>
    %broadcast_in_dim3A_63 = arith.constant 0.000000e+00 : f32
    %broadcast_in_dim3A_64 = vector.broadcast %broadcast_in_dim3A_63 : f32 to vector<4x8xf32>
    %slice3A_65 = vector.extract_strided_slice %add3A_62 {offsets = [0, 0], sizes = [2044, 8], strides = [1, 1]} : vector<2048x8xf32> to vector<2044x8xf32>
    %concatenate3A_66 = tpu.concatenate %broadcast_in_dim3A_64, %slice3A_65 in 0 : vector<4x8xf32>, vector<2044x8xf32> -> vector<2048x8xf32>
    %add3A_67 = arith.addf %add3A_62, %concatenate3A_66 : vector<2048x8xf32>
    %broadcast_in_dim3A_68 = arith.constant 0.000000e+00 : f32
    %broadcast_in_dim3A_69 = vector.broadcast %broadcast_in_dim3A_68 : f32 to vector<8x8xf32>
    %slice3A_70 = vector.extract_strided_slice %add3A_67 {offsets = [0, 0], sizes = [2040, 8], strides = [1, 1]} : vector<2048x8xf32> to vector<2040x8xf32>
    %concatenate3A_71 = tpu.concatenate %broadcast_in_dim3A_69, %slice3A_70 in 0 : vector<8x8xf32>, vector<2040x8xf32> -> vector<2048x8xf32>
    %add3A_72 = arith.addf %add3A_67, %concatenate3A_71 : vector<2048x8xf32>
    %broadcast_in_dim3A_73 = arith.constant 0.000000e+00 : f32
    %broadcast_in_dim3A_74 = vector.broadcast %broadcast_in_dim3A_73 : f32 to vector<16x8xf32>
    %slice3A_75 = vector.extract_strided_slice %add3A_72 {offsets = [0, 0], sizes = [2032, 8], strides = [1, 1]} : vector<2048x8xf32> to vector<2032x8xf32>
    %concatenate3A_76 = tpu.concatenate %broadcast_in_dim3A_74, %slice3A_75 in 0 : vector<16x8xf32>, vector<2032x8xf32> -> vector<2048x8xf32>
    %add3A_77 = arith.addf %add3A_72, %concatenate3A_76 : vector<2048x8xf32>
    %broadcast_in_dim3A_78 = arith.constant 0.000000e+00 : f32
    %broadcast_in_dim3A_79 = vector.broadcast %broadcast_in_dim3A_78 : f32 to vector<32x8xf32>
    %slice3A_80 = vector.extract_strided_slice %add3A_77 {offsets = [0, 0], sizes = [2016, 8], strides = [1, 1]} : vector<2048x8xf32> to vector<2016x8xf32>
    %concatenate3A_81 = tpu.concatenate %broadcast_in_dim3A_79, %slice3A_80 in 0 : vector<32x8xf32>, vector<2016x8xf32> -> vector<2048x8xf32>
    %add3A_82 = arith.addf %add3A_77, %concatenate3A_81 : vector<2048x8xf32>
    %broadcast_in_dim3A_83 = arith.constant 0.000000e+00 : f32
    %broadcast_in_dim3A_84 = vector.broadcast %broadcast_in_dim3A_83 : f32 to vector<64x8xf32>
    %slice3A_85 = vector.extract_strided_slice %add3A_82 {offsets = [0, 0], sizes = [1984, 8], strides = [1, 1]} : vector<2048x8xf32> to vector<1984x8xf32>
    %concatenate3A_86 = tpu.concatenate %broadcast_in_dim3A_84, %slice3A_85 in 0 : vector<64x8xf32>, vector<1984x8xf32> -> vector<2048x8xf32>
    %add3A_87 = arith.addf %add3A_82, %concatenate3A_86 : vector<2048x8xf32>
    %broadcast_in_dim3A_88 = arith.constant 0.000000e+00 : f32
    %broadcast_in_dim3A_89 = vector.broadcast %broadcast_in_dim3A_88 : f32 to vector<128x8xf32>
    %slice3A_90 = vector.extract_strided_slice %add3A_87 {offsets = [0, 0], sizes = [1920, 8], strides = [1, 1]} : vector<2048x8xf32> to vector<1920x8xf32>
    %concatenate3A_91 = tpu.concatenate %broadcast_in_dim3A_89, %slice3A_90 in 0 : vector<128x8xf32>, vector<1920x8xf32> -> vector<2048x8xf32>
    %add3A_92 = arith.addf %add3A_87, %concatenate3A_91 : vector<2048x8xf32>
    %broadcast_in_dim3A_93 = arith.constant 0.000000e+00 : f32
    %broadcast_in_dim3A_94 = vector.broadcast %broadcast_in_dim3A_93 : f32 to vector<256x8xf32>
    %slice3A_95 = vector.extract_strided_slice %add3A_92 {offsets = [0, 0], sizes = [1792, 8], strides = [1, 1]} : vector<2048x8xf32> to vector<1792x8xf32>
    %concatenate3A_96 = tpu.concatenate %broadcast_in_dim3A_94, %slice3A_95 in 0 : vector<256x8xf32>, vector<1792x8xf32> -> vector<2048x8xf32>
    %add3A_97 = arith.addf %add3A_92, %concatenate3A_96 : vector<2048x8xf32>
    %broadcast_in_dim3A_98 = arith.constant 0.000000e+00 : f32
    %broadcast_in_dim3A_99 = vector.broadcast %broadcast_in_dim3A_98 : f32 to vector<512x8xf32>
    %slice3A_100 = vector.extract_strided_slice %add3A_97 {offsets = [0, 0], sizes = [1536, 8], strides = [1, 1]} : vector<2048x8xf32> to vector<1536x8xf32>
    %concatenate3A_101 = tpu.concatenate %broadcast_in_dim3A_99, %slice3A_100 in 0 : vector<512x8xf32>, vector<1536x8xf32> -> vector<2048x8xf32>
    %add3A_102 = arith.addf %add3A_97, %concatenate3A_101 : vector<2048x8xf32>
    %broadcast_in_dim3A_103 = arith.constant 0.000000e+00 : f32
    %broadcast_in_dim3A_104 = vector.broadcast %broadcast_in_dim3A_103 : f32 to vector<1024x8xf32>
    %slice3A_105 = vector.extract_strided_slice %add3A_102 {offsets = [0, 0], sizes = [1024, 8], strides = [1, 1]} : vector<2048x8xf32> to vector<1024x8xf32>
    %concatenate3A_106 = tpu.concatenate %broadcast_in_dim3A_104, %slice3A_105 in 0 : vector<1024x8xf32>, vector<1024x8xf32> -> vector<2048x8xf32>
    %add3A_107 = arith.addf %add3A_102, %concatenate3A_106 : vector<2048x8xf32>
    %sub3A_108 = arith.subf %add3A_107, %add3A_53 : vector<2048x8xf32>
    %reduce_sum3A = arith.constant dense<0.000000e+00> : vector<8xf32>
    %reduce_sum3A_109 = vector.multi_reduction <add>, %add3A_53, %reduce_sum3A [0] : vector<2048x8xf32> to vector<8xf32>
    %broadcast_in_dim3A_110 = vector.shape_cast %reduce_sum3A_109 : vector<8xf32> to vector<1x8xf32>
    %mul3A = arith.constant 0.001953125 : f32
    %mul3A_111 = vector.broadcast %mul3A : f32 to vector<1x8xf32>
    %mul3A_112 = arith.mulf %broadcast_in_dim3A_110, %mul3A_111 : vector<1x8xf32>
    %ceil3A = math.ceil %mul3A_112 : vector<1x8xf32>
    %iota3A_113 = tpu.iota {dimensions = array<i32: 0>} : vector<8x8xi32>
    %iota3A_114 = tpu.iota {dimensions = array<i32: 1>} : vector<8x8xi32>
    %le3A = arith.cmpi sle, %iota3A_113, %iota3A_114 : vector<8x8xi32>
    %convert_element_type3A_115 = arith.extui %le3A : vector<8x8xi1> to vector<8x8xi32>
    %convert_element_type3A_116 = arith.sitofp %convert_element_type3A_115 : vector<8x8xi32> to vector<8x8xf32>
    %dot_general3A_117 = arith.constant dense<0.000000e+00> : vector<1x8xf32>
    %dot_general3A_118 = tpu.matmul %ceil3A, %convert_element_type3A_116, %dot_general3A_117 {dimension_numbers = #tpu.dot_dimension_numbers<[1], [0], [0], [1], [0, 0, 1, 1], [], []>, transpose_lhs_hint = false} : vector<1x8xf32>, vector<8x8xf32>, vector<1x8xf32> -> vector<1x8xf32>
    %sub3A_119 = arith.subf %dot_general3A_118, %ceil3A : vector<1x8xf32>
    %mul3A_120 = arith.constant 5.120000e+02 : f32
    %mul3A_121 = vector.broadcast %mul3A_120 : f32 to vector<1x8xf32>
    %mul3A_122 = arith.mulf %sub3A_119, %mul3A_121 : vector<1x8xf32>
    %add3A_123 = vector.broadcast %mul3A_122 : vector<1x8xf32> to vector<2048x8xf32>
    %add3A_124 = arith.addf %add3A_123, %sub3A_108 : vector<2048x8xf32>
    %jit3A_125 = arith.constant 0.000000e+00 : f32
    %broadcast_in_dim3A_126 = vector.broadcast %jit3A_125 : f32 to vector<2048x8xf32>
    %select_n3A_127 = arith.select %eq3A_19, %add3A_124, %broadcast_in_dim3A_126 : vector<2048x8xi1>, vector<2048x8xf32>
    %reduce_sum3A_128 = arith.constant dense<0.000000e+00> : vector<2048xf32>
    %reduce_sum3A_129 = vector.multi_reduction <add>, %select_n3A_127, %reduce_sum3A_128 [1] : vector<2048x8xf32> to vector<2048xf32>
    %jit3A_130 = arith.constant 0.000000e+00 : f32
    %broadcast_in_dim3A_131 = vector.broadcast %jit3A_130 : f32 to vector<2048x8xf32>
    %select_n3A_132 = arith.select %eq3A_35, %add3A_124, %broadcast_in_dim3A_131 : vector<2048x8xi1>, vector<2048x8xf32>
    %reduce_sum3A_133 = arith.constant dense<0.000000e+00> : vector<2048xf32>
    %reduce_sum3A_134 = vector.multi_reduction <add>, %select_n3A_132, %reduce_sum3A_133 [1] : vector<2048x8xf32> to vector<2048xf32>
    %convert_element_type3A_135 = arith.fptosi %reduce_sum3A_129 : vector<2048xf32> to vector<2048xi32>
    %swap3A_136 = arith.constant 0 : index
    %swap3A_137 = arith.constant 0 : index
    %swap3A_138 = vector.load %arg3[%swap3A_136, %swap3A_137] : memref<1x2048xi32, #tpu.memory_space<vmem>>, vector<1x2048xi32>
    %swap3A_139 = vector.shape_cast %swap3A_138 : vector<1x2048xi32> to vector<2048xi32>
    %swap3A_140 = vector.shape_cast %convert_element_type3A_135 : vector<2048xi32> to vector<1x2048xi32>
    tpu.vector_store %arg3[%swap3A_136, %swap3A_137], %swap3A_140 {strides = array<i32>} : memref<1x2048xi32, #tpu.memory_space<vmem>>, vector<1x2048xi32>,
    %convert_element_type3A_141 = arith.fptosi %reduce_sum3A_134 : vector<2048xf32> to vector<2048xi32>
    %swap3A_142 = arith.constant 0 : index
    %swap3A_143 = arith.constant 0 : index
    %swap3A_144 = vector.load %arg4[%swap3A_142, %swap3A_143] : memref<1x2048xi32, #tpu.memory_space<vmem>>, vector<1x2048xi32>
    %swap3A_145 = vector.shape_cast %swap3A_144 : vector<1x2048xi32> to vector<2048xi32>
    %swap3A_146 = vector.shape_cast %convert_element_type3A_141 : vector<2048xi32> to vector<1x2048xi32>
    tpu.vector_store %arg4[%swap3A_142, %swap3A_143], %swap3A_146 {strides = array<i32>} : memref<1x2048xi32, #tpu.memory_space<vmem>>, vector<1x2048xi32>,
    %iota3A_147 = tpu.iota {dimensions = array<i32: 0>} : vector<15x8xi32>
    %convert_element_type3A_148 = arith.fptosi %dot_general3A_118 : vector<1x8xf32> to vector<1x8xi32>
    %ge3A_149 = vector.broadcast %convert_element_type3A_148 : vector<1x8xi32> to vector<15x8xi32>
    %ge3A_150 = arith.cmpi sge, %iota3A_147, %ge3A_149 : vector<15x8xi32>
    %convert_element_type3A_151 = arith.extui %ge3A_150 : vector<15x8xi1> to vector<15x8xi32>
    %reduce_sum3A_152 = arith.constant dense<0> : vector<15xi32>
    %reduce_sum3A_153 = vector.multi_reduction <add>, %convert_element_type3A_151, %reduce_sum3A_152 [1] : vector<15x8xi32> to vector<15xi32>
    %lt3A = arith.constant 8 : i32
    %lt3A_154 = vector.broadcast %lt3A : i32 to vector<15xi32>
    %lt3A_155 = arith.cmpi slt, %reduce_sum3A_153, %lt3A_154 : vector<15xi32>
    %convert_element_type3A_156 = arith.extui %lt3A_155 : vector<15xi1> to vector<15xi32>
    %swap3A_157 = arith.constant 0 : index
    %swap3A_158 = arith.constant 0 : index
    %swap3A_159 = vector.load %arg7[%swap3A_157, %swap3A_158] : memref<1x15xi32, #tpu.memory_space<vmem>>, vector<1x15xi32>
    %swap3A_160 = vector.shape_cast %swap3A_159 : vector<1x15xi32> to vector<15xi32>
    %swap3A_161 = vector.shape_cast %convert_element_type3A_156 : vector<15xi32> to vector<1x15xi32>
    tpu.vector_store %arg7[%swap3A_157, %swap3A_158], %swap3A_161 {strides = array<i32>} : memref<1x15xi32, #tpu.memory_space<vmem>>, vector<1x15xi32>,
    %min3A = arith.constant 7 : i32
    %min3A_162 = vector.broadcast %min3A : i32 to vector<15xi32>
    %min3A_163 = arith.minsi %reduce_sum3A_153, %min3A_162 : vector<15xi32>
    %swap3A_164 = arith.constant 0 : index
    %swap3A_165 = arith.constant 0 : index
    %swap3A_166 = vector.load %arg6[%swap3A_164, %swap3A_165] : memref<1x15xi32, #tpu.memory_space<vmem>>, vector<1x15xi32>
    %swap3A_167 = vector.shape_cast %swap3A_166 : vector<1x15xi32> to vector<15xi32>
    %swap3A_168 = vector.shape_cast %min3A_163 : vector<15xi32> to vector<1x15xi32>
    tpu.vector_store %arg6[%swap3A_164, %swap3A_165], %swap3A_168 {strides = array<i32>} : memref<1x15xi32, #tpu.memory_space<vmem>>, vector<1x15xi32>,
    return
  }
}

module attributes {stable_mosaic.version = 14 : i64} {
  func.func @_combine_body(%arg0: i32, %arg1: memref<512x384xi32, #tpu.memory_space<vmem>>, %arg2: memref<512x384xi32, #tpu.memory_space<vmem>>, %arg3: memref<512x2xf32, #tpu.memory_space<vmem>>, %arg4: memref<768x512xf32, #tpu.memory_space<vmem>>) attributes {dimension_semantics = [#tpu.dimension_semantics<arbitrary>], iteration_bounds = array<i64: 4>, scalar_prefetch = 0 : i64, scratch_operands = 0 : i64, tpu.core_type = #tpu.core_type<tc>, window_params = [{transform_indices = @transform_0, window_bounds = array<i64: 512, 384>}, {transform_indices = @transform_1, window_bounds = array<i64: 512, 384>}, {transform_indices = @transform_2, window_bounds = array<i64: 512, 2>}, {transform_indices = @transform_3, window_bounds = array<i64: 768, 512>}]} {
    %get3A = arith.constant 0 : index
    %get3A_0 = arith.constant 0 : index
    %get3A_1 = vector.load %arg1[%get3A, %get3A_0] : memref<512x384xi32, #tpu.memory_space<vmem>>, vector<512x384xi32>
    %bitcast_convert_type3A = tpu.bitcast %get3A_1 : vector<512x384xi32> -> vector<512x384xi32>
    %and3A = arith.constant 65535 : i32
    %and3A_2 = vector.broadcast %and3A : i32 to vector<512x384xi32>
    %and3A_3 = arith.andi %bitcast_convert_type3A, %and3A_2 : vector<512x384xi32>
    %convert_element_type3A = arith.trunci %and3A_3 : vector<512x384xi32> to vector<512x384xi16>
    %bitcast_convert_type3A_4 = tpu.bitcast %convert_element_type3A : vector<512x384xi16> -> vector<512x384xbf16>
    %shift_right_logical3A = arith.constant 16 : i32
    %shift_right_logical3A_5 = vector.broadcast %shift_right_logical3A : i32 to vector<512x384xi32>
    %shift_right_logical3A_6 = arith.shrui %bitcast_convert_type3A, %shift_right_logical3A_5 : vector<512x384xi32>
    %convert_element_type3A_7 = arith.trunci %shift_right_logical3A_6 : vector<512x384xi32> to vector<512x384xi16>
    %bitcast_convert_type3A_8 = tpu.bitcast %convert_element_type3A_7 : vector<512x384xi16> -> vector<512x384xbf16>
    %concatenate3A = tpu.concatenate %bitcast_convert_type3A_4, %bitcast_convert_type3A_8 in 1 : vector<512x384xbf16>, vector<512x384xbf16> -> vector<512x768xbf16>
    %convert_element_type3A_9 = arith.extf %concatenate3A : vector<512x768xbf16> to vector<512x768xf32>
    %get3A_10 = arith.constant 0 : index
    %get3A_11 = arith.constant 0 : index
    %get3A_12 = vector.load %arg2[%get3A_10, %get3A_11] : memref<512x384xi32, #tpu.memory_space<vmem>>, vector<512x384xi32>
    %bitcast_convert_type3A_13 = tpu.bitcast %get3A_12 : vector<512x384xi32> -> vector<512x384xi32>
    %and3A_14 = arith.constant 65535 : i32
    %and3A_15 = vector.broadcast %and3A_14 : i32 to vector<512x384xi32>
    %and3A_16 = arith.andi %bitcast_convert_type3A_13, %and3A_15 : vector<512x384xi32>
    %convert_element_type3A_17 = arith.trunci %and3A_16 : vector<512x384xi32> to vector<512x384xi16>
    %bitcast_convert_type3A_18 = tpu.bitcast %convert_element_type3A_17 : vector<512x384xi16> -> vector<512x384xbf16>
    %shift_right_logical3A_19 = arith.constant 16 : i32
    %shift_right_logical3A_20 = vector.broadcast %shift_right_logical3A_19 : i32 to vector<512x384xi32>
    %shift_right_logical3A_21 = arith.shrui %bitcast_convert_type3A_13, %shift_right_logical3A_20 : vector<512x384xi32>
    %convert_element_type3A_22 = arith.trunci %shift_right_logical3A_21 : vector<512x384xi32> to vector<512x384xi16>
    %bitcast_convert_type3A_23 = tpu.bitcast %convert_element_type3A_22 : vector<512x384xi16> -> vector<512x384xbf16>
    %concatenate3A_24 = tpu.concatenate %bitcast_convert_type3A_18, %bitcast_convert_type3A_23 in 1 : vector<512x384xbf16>, vector<512x384xbf16> -> vector<512x768xbf16>
    %convert_element_type3A_25 = arith.extf %concatenate3A_24 : vector<512x768xbf16> to vector<512x768xf32>
    %get3A_26 = arith.constant 0 : index
    %get3A_27 = arith.constant 0 : index
    %get3A_28 = vector.load %arg3[%get3A_26, %get3A_27] : memref<512x2xf32, #tpu.memory_space<vmem>>, vector<512x1xf32>
    %mul3A = vector.broadcast %get3A_28 : vector<512x1xf32> to vector<512x768xf32>
    %mul3A_29 = arith.mulf %mul3A, %convert_element_type3A_9 : vector<512x768xf32>
    %get3A_30 = arith.constant 0 : index
    %get3A_31 = arith.constant 1 : index
    %get3A_32 = vector.load %arg3[%get3A_30, %get3A_31] : memref<512x2xf32, #tpu.memory_space<vmem>>, vector<512x1xf32>
    %mul3A_33 = vector.broadcast %get3A_32 : vector<512x1xf32> to vector<512x768xf32>
    %mul3A_34 = arith.mulf %mul3A_33, %convert_element_type3A_25 : vector<512x768xf32>
    %add3A = arith.addf %mul3A_29, %mul3A_34 : vector<512x768xf32>
    %transpose3A = tpu.transpose %add3A, [1, 0] : vector<512x768xf32> -> vector<768x512xf32>
    %swap3A = arith.constant 0 : index
    %swap3A_35 = arith.constant 0 : index
    %swap3A_36 = vector.load %arg4[%swap3A, %swap3A_35] : memref<768x512xf32, #tpu.memory_space<vmem>>, vector<768x512xf32>
    tpu.vector_store %arg4[%swap3A, %swap3A_35], %transpose3A {strides = array<i32>} : memref<768x512xf32, #tpu.memory_space<vmem>>, vector<768x512xf32>,
    return
  }
  func.func @transform_0(%arg0: i32) -> (i32, i32) {
    %c0_i32 = arith.constant 0 : i32
    %c0_i32_0 = arith.constant 0 : i32
    return %arg0, %c0_i32 : i32, i32
  }
  func.func @transform_1(%arg0: i32) -> (i32, i32) {
    %c0_i32 = arith.constant 0 : i32
    %c0_i32_0 = arith.constant 0 : i32
    return %arg0, %c0_i32 : i32, i32
  }
  func.func @transform_2(%arg0: i32) -> (i32, i32) {
    %c0_i32 = arith.constant 0 : i32
    %c0_i32_0 = arith.constant 0 : i32
    return %arg0, %c0_i32 : i32, i32
  }
  func.func @transform_3(%arg0: i32) -> (i32, i32) {
    %c0_i32 = arith.constant 0 : i32
    %c0_i32_0 = arith.constant 0 : i32
    return %c0_i32, %arg0 : i32, i32
  }
}

</mosaic_0001>

<sc_bundles>
// kernel: kernel.10.cloned.1.call-start
scs
__scs_entry_jumppad:
0x0: {  	(pc) =	sbr.rel $0x88, $3  }
0x1: {  	(tag) =	ssettag $0x0;
	lr =	simm.s32 $0x1  }
0x2: {  	[smem:$0x3F9C] =	sst lr;
	_ =	strace $0xD0000000  }
0x3: {  	_ = 	snop  }
0x4: {  	_ = 	snop  }
0x5: {  	_ = 	snop  }
0x6: {  	_ = 	snop  }
0x7: {  	_ = 	snop  }
__scs_overlays_trampoline_lowered:
0x8: {  	[smem:$0x3FAB] =	sst s0  }
0x9: {  	[smem:$0x3FAC] =	sst s1  }
0xa: {  	[smem:$0x3FAD] =	sst s2  }
0xb: {  	[smem:$0x3FAE] =	sst s3  }
0xc: {  	[smem:$0x3FAF] =	sst s4  }
0xd: {  	[smem:$0x3FB0] =	sst s5  }
0xe: {  	[smem:$0x3FB1] =	sst s6  }
0xf: {  	[smem:$0x3FB2] =	sst s7  }
0x10: {  	[smem:$0x3FB3] =	sst s8  }
0x11: {  	[smem:$0x3FB4] =	sst s9;
	s0 =	simm.s32 @!p0 $0x0  }
0x12: {  	s1 =	sld [smem:$0x3F9A];
	s0 =	simm.s32 @p0 $0x1  }
0x13: {  	[smem:$0x3FB5] =	sst s0;
	s0 =	simm.s32 @!p1 $0x0  }
0x14: {  	s2 =	sld [smem:$0x3F99];
	s0 =	simm.s32 @p1 $0x1  }
0x15: {  	[smem:$0x3FB6] =	sst s0;
	s0 =	simm.s32 @!p2 $0x0  }
0x16: {  	s3 =	sld [smem:$0x3FDB];
	s0 =	simm.s32 @p2 $0x1  }
0x17: {  	s4 =	simm.s32 $0x1BF5;
	[smem:$0x3FB8] =	sst s0  }
0x18: {  	s0 =	sld [smem:$0x3F9B];
	_ =	swait.ge [sflag:s4], $0x0  }
0x19: {  	s7 =	sld [smem:$0x3F9C]  }
0x1a: {  	s8 =	sadd.s32 $0xFFFFE003, lr  }
0x1b: {  	s9 =	sadd.s32 $0xFFFFFEF7, lr;
	s5 =	simm.s32 $0xFFFFFFFF;
	p2 =	slt.u32 s8, $0xFFFFF086  }
0x1c: {  	p1 =	slt.u32 s9, $0xF7A;
	s5 =	simm.s32 @!p2 $0x0  }
0x1d: {  	s5 =	simm.s32 @p1 $0x1;
	p0 =	seq.s32 s7, s2  }
0x1e: {  	s7 =	smul.u32 @!p0 $0xF7A, s2;
	p2 =	seq.s32 @!p0 s5, $0x0  }
0x1f: {  	s9 =	smul.u32 $0xF7A, s1;
	s8 =	simm.s32 @!p0 $0x1BF5;
	p2 =	por !p2, p0  }
0x20: {  	[sflag:s8] =	ssyncset.s32 @!p0 $0xFFFFF086;
	s6 =	sadd.s32 @!p0 s3, s7;
	s7 =	simm.s32 @!p0 $0x108  }
0x21: {  	s3 =	sadd.s32 s3, s9;
	s6 =	sadd.s32 @!p0 $0x88, s6;
	s7 =	simm.s32 @p2 $0x1082  }
0x22: {  	[simem:s7], [sflag:s8] =	dma.local @!p0 [hbm:s6], $0xF7A  }
0x23: {  	s9 =	sor.u32 $0xD0000000, s2;
	s6 =	simm.s32 $0x108;
	_ =	swait.ge @!p0 [sflag:s8], $0x0  }
0x24: {  	s3 =	sadd.s32 $0x88, s3;
	s6 =	simm.s32 @!p1 $0x1082;
	[sflag:s4] =	ssyncset.s32 $0xFFFFF086  }
0x25: {  	[simem:s6], [sflag:s4] =	dma.local [hbm:s3], $0xF7A  }
0x26: {  	[smem:$0x3F9C] =	sst s1;
	(tag) =	ssettag s2;
	_ =	strace s9  }
0x27: {  	s1 =	sld [smem:$0x3FAC]  }
0x28: {  	s2 =	sld [smem:$0x3FAD]  }
0x29: {  	s4 =	sld [smem:$0x3FAF]  }
0x2a: {  	p0 =	seq.s32 s5, $0x0;
	s5 =	sld [smem:$0x3FB0]  }
0x2b: {  	s6 =	sld [smem:$0x3FB1]  }
0x2c: {  	s7 =	sld [smem:$0x3FB2]  }
0x2d: {  	s3 =	simm.s32 $0x108;
	s8 =	sld [smem:$0x3FB3]  }
0x2e: {  	s3 =	simm.s32 @!p0 $0x1082;
	s9 =	sld [smem:$0x3FB4]  }
0x2f: {  	lr =	sadd.s32 s0, s3;
	s0 =	sld [smem:$0x3FAB]  }
0x30: {  	s3 =	sld [smem:$0x3FAE]  }
0x31: {  	[smem:$0x3FB7] =	sst s10  }
0x32: {  	s10 =	sld [smem:$0x3FB5];
	_ =	sdelay $0x3  }
0x33: {  	p0 =	seq.s32 s10, $0x1;
	s10 =	sld [smem:$0x3FB7];
	_ =	sdelay $0x3  }
0x34: {  	[smem:$0x3FB7] =	sst s10  }
0x35: {  	s10 =	sld [smem:$0x3FB6];
	_ =	sdelay $0x3  }
0x36: {  	p1 =	seq.s32 s10, $0x1;
	s10 =	sld [smem:$0x3FB7];
	_ =	sdelay $0x3  }
0x37: {  	[smem:$0x3FB7] =	sst s10  }
0x38: {  	s10 =	sld [smem:$0x3FB8]  }
0x39: {  	_ = 	snop;
	(pc) =	sbr.ind lr, $3  }
0x3a: {  	_ = 	snop  }
0x3b: {  	_ = 	snop  }
0x3c: {  	p2 =	seq.s32 s10, $0x1;
	s10 =	sld [smem:$0x3FB7]  }
0x3d: {  	_ =	shalt  }
0x3e: {  	_ =	shalt  }
0x3f: {  	_ =	shalt  }
0x40: {  	_ =	shalt  }
0x41: {  	_ =	shalt  }
0x42: {  	_ =	shalt  }
0x43: {  	_ =	shalt  }
0x44: {  	_ =	shalt  }
0x45: {  	_ =	shalt  }
0x46: {  	_ =	shalt  }
0x47: {  	_ =	shalt  }
0x48: {  	_ =	shalt  }
0x49: {  	_ =	shalt  }
0x4a: {  	_ =	shalt  }
0x4b: {  	_ =	shalt  }
0x4c: {  	_ =	shalt  }
0x4d: {  	_ =	shalt  }
0x4e: {  	_ =	shalt  }
0x4f: {  	_ =	shalt  }
0x50: {  	_ =	shalt  }
0x51: {  	_ =	shalt  }
0x52: {  	_ =	shalt  }
0x53: {  	_ =	shalt  }
0x54: {  	_ =	shalt  }
0x55: {  	_ =	shalt  }
0x56: {  	_ =	shalt  }
0x57: {  	_ =	shalt  }
0x58: {  	_ =	shalt  }
0x59: {  	_ =	shalt  }
0x5a: {  	_ =	shalt  }
0x5b: {  	_ =	shalt  }
0x5c: {  	_ =	shalt  }
0x5d: {  	_ =	shalt  }
0x5e: {  	_ =	shalt  }
0x5f: {  	_ =	shalt  }
0x60: {  	_ =	shalt  }
0x61: {  	_ =	shalt  }
0x62: {  	_ =	shalt  }
0x63: {  	_ =	shalt  }
0x64: {  	_ =	shalt  }
0x65: {  	_ =	shalt  }
0x66: {  	_ =	shalt  }
0x67: {  	_ =	shalt  }
0x68: {  	_ =	shalt  }
0x69: {  	_ =	shalt  }
0x6a: {  	_ =	shalt  }
0x6b: {  	_ =	shalt  }
0x6c: {  	_ =	shalt  }
0x6d: {  	_ =	shalt  }
0x6e: {  	_ =	shalt  }
0x6f: {  	_ =	shalt  }
0x70: {  	_ =	shalt  }
0x71: {  	_ =	shalt  }
0x72: {  	_ =	shalt  }
0x73: {  	_ =	shalt  }
0x74: {  	_ =	shalt  }
0x75: {  	_ =	shalt  }
0x76: {  	_ =	shalt  }
0x77: {  	_ =	shalt  }
0x78: {  	_ =	shalt  }
0x79: {  	_ =	shalt  }
0x7a: {  	_ =	shalt  }
0x7b: {  	_ =	shalt  }
0x7c: {  	_ =	shalt  }
0x7d: {  	_ =	shalt  }
0x7e: {  	_ =	shalt  }
0x7f: {  	_ =	shalt  }
0x80: {  	_ =	shalt  }
0x81: {  	_ =	shalt  }
0x82: {  	_ =	shalt  }
0x83: {  	_ =	shalt  }
0x84: {  	_ =	shalt  }
0x85: {  	_ =	shalt  }
0x86: {  	_ =	shalt  }
0x87: {  	_ =	shalt  }
.Lfunc_end0:
.L_simem_size_0:
called_computation.1_lowered:
.L_overlay_start_0:
0x88: {  	s2 =	sld [smem:$0x3FD9]  }
0x89: {  	s3 =	sld [smem:$0x3FFE];
	_ =	sdelay $0x1  }
0x8a: {  	s1 =	srdreg.scid  }
0x8b: {  	s0 =	sand.u32 $0x1, s1  }
0x8c: {  	s17 =	sshll.u32 s0, $0xA;
	s2 =	sadd.s32 s3, s2  }
0x8d: {  	s2 =	sadd.s32 s2, s17  }
0x8e: {  	[smem:$0x3FC3] =	sst s2  }
0x8f: {  	_ = 	snop  }
0x90: {  	s2 =	sld [smem:$0x3FD0];
	(tm) =	ssettm $0x1  }
0x91: {  	s18 =	sld [smem:$0x3FFB];
	_ =	sdelay $0x3  }
0x92: {  	_ =	strace s18  }
0x93: {  	s3 =	sld [smem:$0x3FFC];
	_ =	sdelay $0x3  }
0x94: {  	_ =	strace s3  }
0x95: {  	s3 =	sld [smem:$0x3FFD];
	_ =	sdelay $0x3  }
0x96: {  	_ =	strace s3  }
0x97: {  	_ =	strace $0x8FFFFFFF  }
0x98: {  	s19 =	sld [smem:$0x3FDB];
	_ =	sdelay $0x1  }
0x99: {  	s4 =	simm.s32 $_scs_section_size  }
0x9a: {  	s5 =	simm.s32 $_size__tile_overlayer_lowered;
	s6 =	simm.s32 $_tile_overlayer_lowered  }
0x9b: {  	s22 =	simm.s32 $0x1BFF;
	s21 =	sshll.u32 s6, $0x1;
	s3 =	sadd.s32 s4, s19  }
0x9c: {  	s7 =	simm.s32 $0x0;
	s20 =	sshll.u32 s5, $0x1;
	s5 =	sadd.s32 s21, s3  }
0x9d: {  	[timem:s7], [sflag:s22] =	dma.local [hbm:s5], s20  }
0x9e: {  	_ =	swait.ge [sflag:s22], s20  }
0x9f: {  	s4 =	ssub.s32 $0x0, s20;
	[sflag:s22] =	ssyncset.done $0x0  }
0xa0: {  	[sflag:s22] =	ssyncadd.s32 s4;
	_ =	sdelay $0x1  }
0xa1: {  	s23 =	simm.s32 $0x1B8B  }
0xa2: {  	_ =	swait.ge [sflag:s23], $0x1  }
0xa3: {  	[sflag:s23] =	ssyncset.done $0x0  }
0xa4: {  	s25 =	simm.s32 $0x1B8E;
	s24 =	sld [smem:$0x3FFE];
	[sflag:s23] =	ssyncadd.s32 $0xFFFFFFFF  }
0xa5: {  	s26 =	simm.s32 $execute0_lowered;
	[smem:$0x3FD2] =	sst s25  }
0xa6: {  	s5 =	sshll.u32 s26, $0x1;
	_ =	strace $0x80000049;
	[dreg:$0x1] =	wrdreg $0xFFFFFFFF  }
0xa7: {  	s28 =	simm.s32 $_size_execute0_lowered;
	s3 =	sadd.s32 s3, s5;
	[dreg:$0x0] =	wrdreg $0x0  }
0xa8: {  	s5 =	sshll.u32 s28, $0x1;
	[dreg:$0x2] =	wrdreg s3  }
0xa9: {  	[dreg:$0x3] =	wrdreg s5  }
0xaa: {  	[dreg:$0x4] =	wrdreg $0xC0  }
0xab: {  	_ =	task [dreg:s7], $0x5FFFF  }
0xac: {  	[dreg:$0x1] =	wrdreg $0xFFFFFFFF  }
0xad: {  	[dreg:$0x0] =	wrdreg $0x60  }
0xae: {  	[dreg:$0x2] =	wrdreg s24  }
0xaf: {  	[dreg:$0x3] =	wrdreg s2  }
0xb0: {  	[dreg:$0x4] =	wrdreg $0x9  }
0xb1: {  	_ =	task.clear_ibuf [dreg:s7], $0x5FFFF;
	_ =	strace $0x90000049  }
0xb2: {  	s29 =	simm.s32 $0x9;
	_ =	strace $0x8000004B  }
0xb3: {  	_ =	swait.ge [sflag:s29], $0x1  }
0xb4: {  	[sflag:s29] =	ssyncadd.s32 $0xFFFFFFFF  }
0xb5: {  	_ =	strace $0x9000004B  }
0xb6: {  	_ =	sfence  }
0xb7: {  	s30 =	sld [smem:$0x0];
	_ =	sdelay $0x2  }
0xb8: {  	s31 =	sshll.u32 s1, $0xD;
	s1 =	sshrl.u32 s1, $0x2  }
0xb9: {  	s3 =	sand.u32 $0x4000, s31;
	s1 =	sadd.s32 s1, s30  }
0xba: {  	s0 =	sor.u32 s3, s0;
	s1 =	sshll.u32 s1, $0x11  }
0xbb: {  	s0 =	sor.u32 s1, s0  }
0xbc: {  	s0 =	sadd.s32 $0x8F2B, s0  }
0xbd: {  	[sflag:s0] =	ssyncadd.remote.s32 $0x1  }
0xbe: {  	_ =	sfence.sel $0xFFFF  }
0xbf: {  	[dreg:$0x0] =	wrdreg $0xFFFFFFFF;
	(pc) =	sbr.abs _section_cstart, $3  }
0xc0: {  	[dreg:$0x1] =	wrdreg $0xFFFFFFFF  }
0xc1: {  	_ =	task.clear_ibuf [dreg:s7], $0x2FFFF;
	_ =	strace $0x9FFFFFFF  }
0xc2: {  	(tm) =	ssettm $0x7FFFFFFF  }
0xc3: {  	_ =	shalt  }
tec
execute0_lowered:
.L_overlay_start_1:
0x0: {  	(tag) =	ssettag $0x1  }
0x1: {  	s1 =	srdreg.scid;
	s5 =	rddreg [dreg:$0x0]  }
0x2: {  	s0 =	stileid.u32;
	s6 =	rddreg [dreg:$0x1]  }
0x3: {  	s2 =	simm.s32 $0x0;
	s12 =	simm.s32 $0x880;
	s13 =	simm.s32 $0xC80  }
0x4: {  	s14 =	simm.s32 $0x1480;
	s15 =	simm.s32 $0x1880;
	s16 =	simm.s32 $0x2080  }
0x5: {  	s17 =	simm.s32 $0x2480;
	s18 =	simm.s32 $0x2C80;
	s19 =	simm.s32 $0x3080  }
0x6: {  	s20 =	simm.s32 $0x3880;
	s21 =	simm.s32 $0x3C80;
	s22 =	simm.s32 $0x4480  }
0x7: {  	s23 =	simm.s32 $0x4880;
	s24 =	simm.s32 $0x5080;
	s25 =	simm.s32 $0x5480  }
0x8: {  	s26 =	simm.s32 $0x5C80;
	s28 =	simm.s32 $0x1;
	s3 =	sand.u32 $0x1, s1  }
0x9: {  	s4 =	sshll.u32 s0, $0x4;
	s1 =	rddreg [dreg:$0x2];
	s7 =	sshll.u32 s3, $0x3  }
0xa: {  	[smem:$0x7FF] =	sst s2;
	s8 =	ssub.s32 $0x2, s3;
	s4 =	sor.u32 s7, s4  }
0xb: {  	_ =	strace $0x8000004A;
	s9 =	sshrl.u32 s8, $0x1;
	s7 =	smul.u32 $0x180, s4  }
0xc: {  	s3 =	sadd.s32 $0x2200, s5;
	s10 =	sadd.s32 s4, s5;
	s9 =	ssub.s32 s8, s9  }
0xd: {  	v2 =	vlaneseq.u32;
	s4 =	sadd.s32 $0x2000, s10;
	s9 =	smax.u32 s9, $0x1;
	s11 =	sadd.s32 s7, s5  }
0xe: {  	vm0 =	vmmov $0xffff;
	vm1 =	vmmov $0xff;
	v1 =	vshrl.u32 v2, $0x3;
	s5 =	sadd.s32 $0x2300, s5;
	s6 =	sadd.s32 s6, s7;
	s7 =	sadd.s32 $0x1E00, s10  }
0xf: {  	v0 =	vand.u32 $0x7, v2;
	v2 =	vor.u32 $0x8, v2;
	v1 =	vmul.u32 $0x8, v1;
	s10 =	simm.s32 $0x2;
	s8 =	sadd.s32 $0x5C200, s11;
	s11 =	simm.s32 $0x80  }
.LBB2_1:
0x10: {  	[tilespmem:s2], [sflag:$0x2] =	stream.linear.gather [hbm4b:s4+s2], $0x40, $0x38;
	[tilespmem:$0x6080] =	vst v63  }
0x11: {  	_ =	swait.ge [sflag:s10], $0x40  }
0x12: {  	[sflag:s10] =	ssyncset.done $0x0  }
0x13: {  	[sflag:s10] =	ssyncadd.s32 $0xFFFFFFC0  }
0x14: {  	v3 =	vld [tilespmem:$0x0];
	_ =	sdelay $0x4  }
0x15: {  	v4 =	vshrl.u32 v3, $0x3  }
0x16: {  	v4 =	vmul.u32 $0x18, v4  }
0x17: {  	v3 =	vand.u32 $0x7, v3  }
0x18: {  	v3 =	vor.u32 v3, v4  }
0x19: {  	v4 =	vperm.xlane v3, v0;
	_ =	sdelay $0x1  }
0x1a: {  	v4 =	vadd.s32 v1, v4;
	_ =	sdelay $0x1  }
0x1b: {  	v3 =	vperm.xlane v3, v2;
	_ =	sdelay $0x1  }
0x1c: {  	v3 =	vadd.s32 v1, v3  }
0x1d: {  	[tilespmem:s11], [sflag:$0x1] =	stream.indirect_vreg.gather [hbm4b:s3+s2], $0x80, v4, vm0, $0xb8;
	[tilespmem:$0x6080] =	vst v63  }
0x1e: {  	_ = 	snop  }
0x1f: {  	[tilespmem:s12], [sflag:$0x1] =	stream.indirect_vreg.gather [hbm4b:s5+s2], $0x80, v4, vm1, $0xb8;
	[tilespmem:$0x6080] =	vst v63  }
0x20: {  	_ = 	snop  }
0x21: {  	[tilespmem:s13], [sflag:$0x1] =	stream.indirect_vreg.gather [hbm4b:s3+s2], $0x80, v3, vm0, $0xb8;
	[tilespmem:$0x6080] =	vst v63  }
0x22: {  	_ = 	snop  }
0x23: {  	[tilespmem:s14], [sflag:$0x1] =	stream.indirect_vreg.gather [hbm4b:s5+s2], $0x80, v3, vm1, $0xb8;
	[tilespmem:$0x6080] =	vst v63  }
0x24: {  	v3 =	vld [tilespmem:$0x10];
	_ =	sdelay $0x4  }
0x25: {  	v57 =	vshrl.u32 v3, $0x3  }
0x26: {  	v4 =	vmul.u32 $0x18, v57  }
0x27: {  	v3 =	vand.u32 $0x7, v3  }
0x28: {  	v3 =	vor.u32 v3, v4  }
0x29: {  	v4 =	vperm.xlane v3, v0;
	_ =	sdelay $0x1  }
0x2a: {  	v4 =	vadd.s32 v1, v4;
	_ =	sdelay $0x1  }
0x2b: {  	v3 =	vperm.xlane v3, v2;
	_ =	sdelay $0x1  }
0x2c: {  	v3 =	vadd.s32 v1, v3  }
0x2d: {  	[tilespmem:s15], [sflag:$0x1] =	stream.indirect_vreg.gather [hbm4b:s3+s2], $0x80, v4, vm0, $0xb8;
	[tilespmem:$0x6080] =	vst v63  }
0x2e: {  	_ = 	snop  }
0x2f: {  	[tilespmem:s16], [sflag:$0x1] =	stream.indirect_vreg.gather [hbm4b:s5+s2], $0x80, v4, vm1, $0xb8;
	[tilespmem:$0x6080] =	vst v63  }
0x30: {  	_ = 	snop  }
0x31: {  	[tilespmem:s17], [sflag:$0x1] =	stream.indirect_vreg.gather [hbm4b:s3+s2], $0x80, v3, vm0, $0xb8;
	[tilespmem:$0x6080] =	vst v63  }
0x32: {  	_ = 	snop  }
0x33: {  	[tilespmem:s18], [sflag:$0x1] =	stream.indirect_vreg.gather [hbm4b:s5+s2], $0x80, v3, vm1, $0xb8;
	[tilespmem:$0x6080] =	vst v63  }
0x34: {  	v3 =	vld [tilespmem:$0x20];
	_ =	sdelay $0x4  }
0x35: {  	v58 =	vshrl.u32 v3, $0x3  }
0x36: {  	v4 =	vmul.u32 $0x18, v58  }
0x37: {  	v3 =	vand.u32 $0x7, v3  }
0x38: {  	v3 =	vor.u32 v3, v4  }
0x39: {  	v4 =	vperm.xlane v3, v0;
	_ =	sdelay $0x1  }
0x3a: {  	v4 =	vadd.s32 v1, v4;
	_ =	sdelay $0x1  }
0x3b: {  	v3 =	vperm.xlane v3, v2;
	_ =	sdelay $0x1  }
0x3c: {  	v3 =	vadd.s32 v1, v3  }
0x3d: {  	[tilespmem:s19], [sflag:$0x1] =	stream.indirect_vreg.gather [hbm4b:s3+s2], $0x80, v4, vm0, $0xb8;
	[tilespmem:$0x6080] =	vst v63  }
0x3e: {  	_ = 	snop  }
0x3f: {  	[tilespmem:s20], [sflag:$0x1] =	stream.indirect_vreg.gather [hbm4b:s5+s2], $0x80, v4, vm1, $0xb8;
	[tilespmem:$0x6080] =	vst v63  }
0x40: {  	_ = 	snop  }
0x41: {  	[tilespmem:s21], [sflag:$0x1] =	stream.indirect_vreg.gather [hbm4b:s3+s2], $0x80, v3, vm0, $0xb8;
	[tilespmem:$0x6080] =	vst v63  }
0x42: {  	_ = 	snop  }
0x43: {  	[tilespmem:s22], [sflag:$0x1] =	stream.indirect_vreg.gather [hbm4b:s5+s2], $0x80, v3, vm1, $0xb8;
	[tilespmem:$0x6080] =	vst v63  }
0x44: {  	v3 =	vld [tilespmem:$0x30];
	_ =	sdelay $0x4  }
0x45: {  	v59 =	vshrl.u32 v3, $0x3  }
0x46: {  	v4 =	vmul.u32 $0x18, v59  }
0x47: {  	v3 =	vand.u32 $0x7, v3  }
0x48: {  	v3 =	vor.u32 v3, v4  }
0x49: {  	v4 =	vperm.xlane v3, v0;
	_ =	sdelay $0x1  }
0x4a: {  	v4 =	vadd.s32 v1, v4;
	_ =	sdelay $0x1  }
0x4b: {  	v3 =	vperm.xlane v3, v2;
	_ =	sdelay $0x1  }
0x4c: {  	v3 =	vadd.s32 v1, v3  }
0x4d: {  	[tilespmem:s23], [sflag:$0x1] =	stream.indirect_vreg.gather [hbm4b:s3+s2], $0x80, v4, vm0, $0xb8;
	[tilespmem:$0x6080] =	vst v63  }
0x4e: {  	_ = 	snop  }
0x4f: {  	[tilespmem:s24], [sflag:$0x1] =	stream.indirect_vreg.gather [hbm4b:s5+s2], $0x80, v4, vm1, $0xb8;
	[tilespmem:$0x6080] =	vst v63  }
0x50: {  	_ = 	snop  }
0x51: {  	[tilespmem:s25], [sflag:$0x1] =	stream.indirect_vreg.gather [hbm4b:s3+s2], $0x80, v3, vm0, $0xb8;
	[tilespmem:$0x6080] =	vst v63  }
0x52: {  	_ = 	snop  }
0x53: {  	[tilespmem:s26], [sflag:$0x1] =	stream.indirect_vreg.gather [hbm4b:s5+s2], $0x80, v3, vm1, $0xb8;
	[tilespmem:$0x6080] =	vst v63  }
0x54: {  	_ =	swait.ge [sflag:s28], $0x6000  }
0x55: {  	[sflag:s28] =	ssyncset.done $0x0  }
0x56: {  	[sflag:s28] =	ssyncadd.s32 $0xFFFFA000  }
0x57: {  	[hbm4b:s6+s2] =	stream.linear.scatter [tilespmem:s11], [sflag:$0x2], $0x6000, $0x38;
	[tilespmem:$0x6080] =	vst v63  }
0x58: {  	_ =	swait.ge [sflag:s10], $0x6000  }
0x59: {  	[sflag:s10] =	ssyncset.done $0x0  }
0x5a: {  	[sflag:s10] =	ssyncadd.s32 $0xFFFFA000  }
0x5b: {  	[tilespmem:s2], [sflag:$0x2] =	stream.linear.gather [hbm4b:s7+s2], $0x40, $0x38;
	[tilespmem:$0x6080] =	vst v63  }
0x5c: {  	_ =	swait.ge [sflag:s10], $0x40  }
0x5d: {  	[sflag:s10] =	ssyncset.done $0x0  }
0x5e: {  	[sflag:s10] =	ssyncadd.s32 $0xFFFFFFC0  }
0x5f: {  	v3 =	vld [tilespmem:$0x0];
	_ =	sdelay $0x4  }
0x60: {  	v60 =	vshrl.u32 v3, $0x3  }
0x61: {  	v4 =	vmul.u32 $0x18, v60  }
0x62: {  	v3 =	vand.u32 $0x7, v3  }
0x63: {  	v3 =	vor.u32 v3, v4  }
0x64: {  	v4 =	vperm.xlane v3, v0;
	_ =	sdelay $0x1  }
0x65: {  	v4 =	vadd.s32 v1, v4;
	_ =	sdelay $0x1  }
0x66: {  	v3 =	vperm.xlane v3, v2;
	_ =	sdelay $0x1  }
0x67: {  	v3 =	vadd.s32 v1, v3  }
0x68: {  	[tilespmem:s11], [sflag:$0x1] =	stream.indirect_vreg.gather [hbm4b:s3+s2], $0x80, v4, vm0, $0xb8;
	[tilespmem:$0x6080] =	vst v63  }
0x69: {  	_ = 	snop  }
0x6a: {  	[tilespmem:s12], [sflag:$0x1] =	stream.indirect_vreg.gather [hbm4b:s5+s2], $0x80, v4, vm1, $0xb8;
	[tilespmem:$0x6080] =	vst v63  }
0x6b: {  	_ = 	snop  }
0x6c: {  	[tilespmem:s13], [sflag:$0x1] =	stream.indirect_vreg.gather [hbm4b:s3+s2], $0x80, v3, vm0, $0xb8;
	[tilespmem:$0x6080] =	vst v63  }
0x6d: {  	_ = 	snop  }
0x6e: {  	[tilespmem:s14], [sflag:$0x1] =	stream.indirect_vreg.gather [hbm4b:s5+s2], $0x80, v3, vm1, $0xb8;
	[tilespmem:$0x6080] =	vst v63  }
0x6f: {  	v3 =	vld [tilespmem:$0x10];
	_ =	sdelay $0x4  }
0x70: {  	v61 =	vshrl.u32 v3, $0x3  }
0x71: {  	v4 =	vmul.u32 $0x18, v61  }
0x72: {  	v3 =	vand.u32 $0x7, v3  }
0x73: {  	v3 =	vor.u32 v3, v4  }
0x74: {  	v4 =	vperm.xlane v3, v0;
	_ =	sdelay $0x1  }
0x75: {  	v4 =	vadd.s32 v1, v4;
	_ =	sdelay $0x1  }
0x76: {  	v3 =	vperm.xlane v3, v2;
	_ =	sdelay $0x1  }
0x77: {  	v3 =	vadd.s32 v1, v3  }
0x78: {  	[tilespmem:s15], [sflag:$0x1] =	stream.indirect_vreg.gather [hbm4b:s3+s2], $0x80, v4, vm0, $0xb8;
	[tilespmem:$0x6080] =	vst v63  }
0x79: {  	_ = 	snop  }
0x7a: {  	[tilespmem:s16], [sflag:$0x1] =	stream.indirect_vreg.gather [hbm4b:s5+s2], $0x80, v4, vm1, $0xb8;
	[tilespmem:$0x6080] =	vst v63  }
0x7b: {  	_ = 	snop  }
0x7c: {  	[tilespmem:s17], [sflag:$0x1] =	stream.indirect_vreg.gather [hbm4b:s3+s2], $0x80, v3, vm0, $0xb8;
	[tilespmem:$0x6080] =	vst v63  }
0x7d: {  	_ = 	snop  }
0x7e: {  	[tilespmem:s18], [sflag:$0x1] =	stream.indirect_vreg.gather [hbm4b:s5+s2], $0x80, v3, vm1, $0xb8;
	[tilespmem:$0x6080] =	vst v63  }
0x7f: {  	v3 =	vld [tilespmem:$0x20];
	_ =	sdelay $0x4  }
0x80: {  	v62 =	vshrl.u32 v3, $0x3  }
0x81: {  	v4 =	vmul.u32 $0x18, v62  }
0x82: {  	v3 =	vand.u32 $0x7, v3  }
0x83: {  	v3 =	vor.u32 v3, v4  }
0x84: {  	v4 =	vperm.xlane v3, v0;
	_ =	sdelay $0x1  }
0x85: {  	v4 =	vadd.s32 v1, v4;
	_ =	sdelay $0x1  }
0x86: {  	v3 =	vperm.xlane v3, v2;
	_ =	sdelay $0x1  }
0x87: {  	v3 =	vadd.s32 v1, v3  }
0x88: {  	[tilespmem:s19], [sflag:$0x1] =	stream.indirect_vreg.gather [hbm4b:s3+s2], $0x80, v4, vm0, $0xb8;
	[tilespmem:$0x6080] =	vst v63  }
0x89: {  	_ = 	snop  }
0x8a: {  	[tilespmem:s20], [sflag:$0x1] =	stream.indirect_vreg.gather [hbm4b:s5+s2], $0x80, v4, vm1, $0xb8;
	[tilespmem:$0x6080] =	vst v63  }
0x8b: {  	_ = 	snop  }
0x8c: {  	[tilespmem:s21], [sflag:$0x1] =	stream.indirect_vreg.gather [hbm4b:s3+s2], $0x80, v3, vm0, $0xb8;
	[tilespmem:$0x6080] =	vst v63  }
0x8d: {  	_ = 	snop  }
0x8e: {  	[tilespmem:s22], [sflag:$0x1] =	stream.indirect_vreg.gather [hbm4b:s5+s2], $0x80, v3, vm1, $0xb8;
	[tilespmem:$0x6080] =	vst v63  }
0x8f: {  	v3 =	vld [tilespmem:$0x30];
	_ =	sdelay $0x4  }
0x90: {  	v63 =	vshrl.u32 v3, $0x3  }
0x91: {  	v4 =	vmul.u32 $0x18, v63  }
0x92: {  	v3 =	vand.u32 $0x7, v3  }
0x93: {  	v3 =	vor.u32 v3, v4  }
0x94: {  	v4 =	vperm.xlane v3, v0;
	_ =	sdelay $0x1  }
0x95: {  	v4 =	vadd.s32 v1, v4;
	_ =	sdelay $0x1  }
0x96: {  	v3 =	vperm.xlane v3, v2;
	_ =	sdelay $0x1  }
0x97: {  	v3 =	vadd.s32 v1, v3  }
0x98: {  	[tilespmem:s23], [sflag:$0x1] =	stream.indirect_vreg.gather [hbm4b:s3+s2], $0x80, v4, vm0, $0xb8;
	[tilespmem:$0x6080] =	vst v63  }
0x99: {  	_ = 	snop  }
0x9a: {  	[tilespmem:s24], [sflag:$0x1] =	stream.indirect_vreg.gather [hbm4b:s5+s2], $0x80, v4, vm1, $0xb8;
	[tilespmem:$0x6080] =	vst v63  }
0x9b: {  	_ = 	snop  }
0x9c: {  	[tilespmem:s25], [sflag:$0x1] =	stream.indirect_vreg.gather [hbm4b:s3+s2], $0x80, v3, vm0, $0xb8;
	[tilespmem:$0x6080] =	vst v63  }
0x9d: {  	_ = 	snop  }
0x9e: {  	[tilespmem:s26], [sflag:$0x1] =	stream.indirect_vreg.gather [hbm4b:s5+s2], $0x80, v3, vm1, $0xb8;
	[tilespmem:$0x6080] =	vst v63  }
0x9f: {  	_ =	swait.ge [sflag:s28], $0x6000  }
0xa0: {  	p0 =	sne.s32 s9, $0x1;
	[sflag:s28] =	ssyncset.done $0x0  }
.Ltmp0:
0xa1: {  	[sflag:s28] =	ssyncadd.s32 $0xFFFFA000;
	(pc) =	sbr.rel @p0 .LBB2_1-.Ltmp0, $4  }
0xa2: {  	[hbm4b:s8+s2] =	stream.linear.scatter [tilespmem:s11], [sflag:$0x2], $0x6000, $0x38;
	[tilespmem:$0x6080] =	vst v63  }
0xa3: {  	_ =	swait.ge [sflag:s10], $0x6000  }
0xa4: {  	[sflag:s10] =	ssyncset.done $0x0  }
0xa5: {  	s9 =	sadd.s32 $0xFFFFFFFF, s9;
	[sflag:s10] =	ssyncadd.s32 $0xFFFFA000  }
0xa6: {  	_ =	sfence.sel $0x180000  }
0xa7: {  	[bflag:$0x0] =	sbarrier.arrive $0xFFFF  }
0xa8: {  	p0 =	sne.s32 s0, $0x0;
	_ =	strace $0x9000004A  }
0xa9: {  	s0 =	sadd.s32 @!p0 $0x100000, s1;
	[bflag:$0x2] =	sbarrier.arrive $0xFFFF  }
0xaa: {  	[sflag:s0] =	ssyncadd.tile.s32 @!p0 $0x1;
	_ =	shalt  }
.Lfunc_end2:
_tile_overlayer_lowered:
.L_overlay_start_2:
0xab: {  	(tag) =	ssettag $0x2  }
0xac: {  	s0 =	rddreg [dreg:$0x0];
	s2 =	stileid.u32  }
0xad: {  	s1 =	rddreg [dreg:$0x1];
	p0 =	sne.s32 s2, $0x0  }
0xae: {  	s3 =	rddreg [dreg:$0x2];
	[bflag:$0x3] =	sbarrier.arrive $0xFFFF;
	s2 =	simm.s32 @!p0 $0x1C02  }
0xaf: {  	[timem:s3], [sflag:s2] =	dma.local @!p0 [hbm:s0], s1  }
0xb0: {  	s0 =	simm.s32 @!p0 $0x2  }
0xb1: {  	_ =	swait.ge @!p0 [sflag:s0], s1  }
0xb2: {  	s1 =	ssub.s32 @!p0 $0x0, s1;
	[sflag:s0] =	ssyncset.done @!p0 $0x0  }
0xb3: {  	[sflag:s0] =	ssyncadd.s32 @!p0 s1  }
0xb4: {  	[bflag:$0x3] =	sbarrier.arrive $0xFFFF  }
0xb5: {  	_ =	shalt  }

// kernel: kernel.7.cloned.1.call-start
scs
__scs_entry_jumppad:
0x0: {  	(pc) =	sbr.rel $0x88, $3  }
0x1: {  	(tag) =	ssettag $0x0;
	lr =	simm.s32 $0x1  }
0x2: {  	[smem:$0x3F9C] =	sst lr;
	_ =	strace $0xD0000000  }
0x3: {  	_ = 	snop  }
0x4: {  	_ = 	snop  }
0x5: {  	_ = 	snop  }
0x6: {  	_ = 	snop  }
0x7: {  	_ = 	snop  }
__scs_overlays_trampoline_lowered:
0x8: {  	[smem:$0x3FAB] =	sst s0  }
0x9: {  	[smem:$0x3FAC] =	sst s1  }
0xa: {  	[smem:$0x3FAD] =	sst s2  }
0xb: {  	[smem:$0x3FAE] =	sst s3  }
0xc: {  	[smem:$0x3FAF] =	sst s4  }
0xd: {  	[smem:$0x3FB0] =	sst s5  }
0xe: {  	[smem:$0x3FB1] =	sst s6  }
0xf: {  	[smem:$0x3FB2] =	sst s7  }
0x10: {  	[smem:$0x3FB3] =	sst s8  }
0x11: {  	[smem:$0x3FB4] =	sst s9;
	s0 =	simm.s32 @!p0 $0x0  }
0x12: {  	s1 =	sld [smem:$0x3F9A];
	s0 =	simm.s32 @p0 $0x1  }
0x13: {  	[smem:$0x3FB5] =	sst s0;
	s0 =	simm.s32 @!p1 $0x0  }
0x14: {  	s2 =	sld [smem:$0x3F99];
	s0 =	simm.s32 @p1 $0x1  }
0x15: {  	[smem:$0x3FB6] =	sst s0;
	s0 =	simm.s32 @!p2 $0x0  }
0x16: {  	s3 =	sld [smem:$0x3FDB];
	s0 =	simm.s32 @p2 $0x1  }
0x17: {  	s4 =	simm.s32 $0x1BF5;
	[smem:$0x3FB8] =	sst s0  }
0x18: {  	s0 =	sld [smem:$0x3F9B];
	_ =	swait.ge [sflag:s4], $0x0  }
0x19: {  	s7 =	sld [smem:$0x3F9C]  }
0x1a: {  	s8 =	sadd.s32 $0xFFFFE003, lr  }
0x1b: {  	s9 =	sadd.s32 $0xFFFFFEF7, lr;
	s5 =	simm.s32 $0xFFFFFFFF;
	p2 =	slt.u32 s8, $0xFFFFF086  }
0x1c: {  	p1 =	slt.u32 s9, $0xF7A;
	s5 =	simm.s32 @!p2 $0x0  }
0x1d: {  	s5 =	simm.s32 @p1 $0x1;
	p0 =	seq.s32 s7, s2  }
0x1e: {  	s7 =	smul.u32 @!p0 $0xF7A, s2;
	p2 =	seq.s32 @!p0 s5, $0x0  }
0x1f: {  	s9 =	smul.u32 $0xF7A, s1;
	s8 =	simm.s32 @!p0 $0x1BF5;
	p2 =	por !p2, p0  }
0x20: {  	[sflag:s8] =	ssyncset.s32 @!p0 $0xFFFFF086;
	s6 =	sadd.s32 @!p0 s3, s7;
	s7 =	simm.s32 @!p0 $0x108  }
0x21: {  	s3 =	sadd.s32 s3, s9;
	s6 =	sadd.s32 @!p0 $0x88, s6;
	s7 =	simm.s32 @p2 $0x1082  }
0x22: {  	[simem:s7], [sflag:s8] =	dma.local @!p0 [hbm:s6], $0xF7A  }
0x23: {  	s9 =	sor.u32 $0xD0000000, s2;
	s6 =	simm.s32 $0x108;
	_ =	swait.ge @!p0 [sflag:s8], $0x0  }
0x24: {  	s3 =	sadd.s32 $0x88, s3;
	s6 =	simm.s32 @!p1 $0x1082;
	[sflag:s4] =	ssyncset.s32 $0xFFFFF086  }
0x25: {  	[simem:s6], [sflag:s4] =	dma.local [hbm:s3], $0xF7A  }
0x26: {  	[smem:$0x3F9C] =	sst s1;
	(tag) =	ssettag s2;
	_ =	strace s9  }
0x27: {  	s1 =	sld [smem:$0x3FAC]  }
0x28: {  	s2 =	sld [smem:$0x3FAD]  }
0x29: {  	s4 =	sld [smem:$0x3FAF]  }
0x2a: {  	p0 =	seq.s32 s5, $0x0;
	s5 =	sld [smem:$0x3FB0]  }
0x2b: {  	s6 =	sld [smem:$0x3FB1]  }
0x2c: {  	s7 =	sld [smem:$0x3FB2]  }
0x2d: {  	s3 =	simm.s32 $0x108;
	s8 =	sld [smem:$0x3FB3]  }
0x2e: {  	s3 =	simm.s32 @!p0 $0x1082;
	s9 =	sld [smem:$0x3FB4]  }
0x2f: {  	lr =	sadd.s32 s0, s3;
	s0 =	sld [smem:$0x3FAB]  }
0x30: {  	s3 =	sld [smem:$0x3FAE]  }
0x31: {  	[smem:$0x3FB7] =	sst s10  }
0x32: {  	s10 =	sld [smem:$0x3FB5];
	_ =	sdelay $0x3  }
0x33: {  	p0 =	seq.s32 s10, $0x1;
	s10 =	sld [smem:$0x3FB7];
	_ =	sdelay $0x3  }
0x34: {  	[smem:$0x3FB7] =	sst s10  }
0x35: {  	s10 =	sld [smem:$0x3FB6];
	_ =	sdelay $0x3  }
0x36: {  	p1 =	seq.s32 s10, $0x1;
	s10 =	sld [smem:$0x3FB7];
	_ =	sdelay $0x3  }
0x37: {  	[smem:$0x3FB7] =	sst s10  }
0x38: {  	s10 =	sld [smem:$0x3FB8]  }
0x39: {  	_ = 	snop;
	(pc) =	sbr.ind lr, $3  }
0x3a: {  	_ = 	snop  }
0x3b: {  	_ = 	snop  }
0x3c: {  	p2 =	seq.s32 s10, $0x1;
	s10 =	sld [smem:$0x3FB7]  }
0x3d: {  	_ =	shalt  }
0x3e: {  	_ =	shalt  }
0x3f: {  	_ =	shalt  }
0x40: {  	_ =	shalt  }
0x41: {  	_ =	shalt  }
0x42: {  	_ =	shalt  }
0x43: {  	_ =	shalt  }
0x44: {  	_ =	shalt  }
0x45: {  	_ =	shalt  }
0x46: {  	_ =	shalt  }
0x47: {  	_ =	shalt  }
0x48: {  	_ =	shalt  }
0x49: {  	_ =	shalt  }
0x4a: {  	_ =	shalt  }
0x4b: {  	_ =	shalt  }
0x4c: {  	_ =	shalt  }
0x4d: {  	_ =	shalt  }
0x4e: {  	_ =	shalt  }
0x4f: {  	_ =	shalt  }
0x50: {  	_ =	shalt  }
0x51: {  	_ =	shalt  }
0x52: {  	_ =	shalt  }
0x53: {  	_ =	shalt  }
0x54: {  	_ =	shalt  }
0x55: {  	_ =	shalt  }
0x56: {  	_ =	shalt  }
0x57: {  	_ =	shalt  }
0x58: {  	_ =	shalt  }
0x59: {  	_ =	shalt  }
0x5a: {  	_ =	shalt  }
0x5b: {  	_ =	shalt  }
0x5c: {  	_ =	shalt  }
0x5d: {  	_ =	shalt  }
0x5e: {  	_ =	shalt  }
0x5f: {  	_ =	shalt  }
0x60: {  	_ =	shalt  }
0x61: {  	_ =	shalt  }
0x62: {  	_ =	shalt  }
0x63: {  	_ =	shalt  }
0x64: {  	_ =	shalt  }
0x65: {  	_ =	shalt  }
0x66: {  	_ =	shalt  }
0x67: {  	_ =	shalt  }
0x68: {  	_ =	shalt  }
0x69: {  	_ =	shalt  }
0x6a: {  	_ =	shalt  }
0x6b: {  	_ =	shalt  }
0x6c: {  	_ =	shalt  }
0x6d: {  	_ =	shalt  }
0x6e: {  	_ =	shalt  }
0x6f: {  	_ =	shalt  }
0x70: {  	_ =	shalt  }
0x71: {  	_ =	shalt  }
0x72: {  	_ =	shalt  }
0x73: {  	_ =	shalt  }
0x74: {  	_ =	shalt  }
0x75: {  	_ =	shalt  }
0x76: {  	_ =	shalt  }
0x77: {  	_ =	shalt  }
0x78: {  	_ =	shalt  }
0x79: {  	_ =	shalt  }
0x7a: {  	_ =	shalt  }
0x7b: {  	_ =	shalt  }
0x7c: {  	_ =	shalt  }
0x7d: {  	_ =	shalt  }
0x7e: {  	_ =	shalt  }
0x7f: {  	_ =	shalt  }
0x80: {  	_ =	shalt  }
0x81: {  	_ =	shalt  }
0x82: {  	_ =	shalt  }
0x83: {  	_ =	shalt  }
0x84: {  	_ =	shalt  }
0x85: {  	_ =	shalt  }
0x86: {  	_ =	shalt  }
0x87: {  	_ =	shalt  }
.Lfunc_end0:
.L_simem_size_0:
called_computation_lowered:
.L_overlay_start_0:
0x88: {  	s2 =	sld [smem:$0x3FD9]  }
0x89: {  	s3 =	sld [smem:$0x3FFE];
	_ =	sdelay $0x1  }
0x8a: {  	s1 =	srdreg.scid  }
0x8b: {  	s0 =	sand.u32 $0x1, s1  }
0x8c: {  	s17 =	sshll.u32 s0, $0xA;
	s2 =	sadd.s32 s3, s2  }
0x8d: {  	s2 =	sadd.s32 s2, s17  }
0x8e: {  	[smem:$0x3FC3] =	sst s2  }
0x8f: {  	_ = 	snop  }
0x90: {  	s2 =	sld [smem:$0x3FD0];
	(tm) =	ssettm $0x1  }
0x91: {  	s18 =	sld [smem:$0x3FFB];
	_ =	sdelay $0x3  }
0x92: {  	_ =	strace s18  }
0x93: {  	s3 =	sld [smem:$0x3FFC];
	_ =	sdelay $0x3  }
0x94: {  	_ =	strace s3  }
0x95: {  	s3 =	sld [smem:$0x3FFD];
	_ =	sdelay $0x3  }
0x96: {  	_ =	strace s3  }
0x97: {  	_ =	strace $0x8FFFFFFF  }
0x98: {  	s19 =	sld [smem:$0x3FDB];
	_ =	sdelay $0x1  }
0x99: {  	s4 =	simm.s32 $_scs_section_size  }
0x9a: {  	s5 =	simm.s32 $_size__tile_overlayer_lowered;
	s6 =	simm.s32 $_tile_overlayer_lowered  }
0x9b: {  	s22 =	simm.s32 $0x1BFF;
	s21 =	sshll.u32 s6, $0x1;
	s3 =	sadd.s32 s4, s19  }
0x9c: {  	s7 =	simm.s32 $0x0;
	s20 =	sshll.u32 s5, $0x1;
	s5 =	sadd.s32 s21, s3  }
0x9d: {  	[timem:s7], [sflag:s22] =	dma.local [hbm:s5], s20  }
0x9e: {  	_ =	swait.ge [sflag:s22], s20  }
0x9f: {  	s4 =	ssub.s32 $0x0, s20;
	[sflag:s22] =	ssyncset.done $0x0  }
0xa0: {  	[sflag:s22] =	ssyncadd.s32 s4;
	_ =	sdelay $0x1  }
0xa1: {  	s23 =	simm.s32 $0x1B8B  }
0xa2: {  	_ =	swait.ge [sflag:s23], $0x1  }
0xa3: {  	[sflag:s23] =	ssyncset.done $0x0  }
0xa4: {  	s25 =	simm.s32 $0x1B8E;
	s24 =	sld [smem:$0x3FFE];
	[sflag:s23] =	ssyncadd.s32 $0xFFFFFFFF  }
0xa5: {  	s26 =	simm.s32 $execute0_lowered;
	[smem:$0x3FD2] =	sst s25  }
0xa6: {  	s5 =	sshll.u32 s26, $0x1;
	_ =	strace $0x80000046;
	[dreg:$0x1] =	wrdreg $0xFFFFFFFF  }
0xa7: {  	s28 =	simm.s32 $_size_execute0_lowered;
	s3 =	sadd.s32 s3, s5;
	[dreg:$0x0] =	wrdreg $0x0  }
0xa8: {  	s5 =	sshll.u32 s28, $0x1;
	[dreg:$0x2] =	wrdreg s3  }
0xa9: {  	[dreg:$0x3] =	wrdreg s5  }
0xaa: {  	[dreg:$0x4] =	wrdreg $0xC0  }
0xab: {  	_ =	task [dreg:s7], $0x5FFFF  }
0xac: {  	[dreg:$0x1] =	wrdreg $0xFFFFFFFF  }
0xad: {  	[dreg:$0x0] =	wrdreg $0x60  }
0xae: {  	[dreg:$0x2] =	wrdreg s2  }
0xaf: {  	[dreg:$0x3] =	wrdreg s24  }
0xb0: {  	[dreg:$0x4] =	wrdreg $0x9  }
0xb1: {  	_ =	task.clear_ibuf [dreg:s7], $0x5FFFF;
	_ =	strace $0x90000046  }
0xb2: {  	s29 =	simm.s32 $0x9;
	_ =	strace $0x80000048  }
0xb3: {  	_ =	swait.ge [sflag:s29], $0x1  }
0xb4: {  	[sflag:s29] =	ssyncadd.s32 $0xFFFFFFFF  }
0xb5: {  	_ =	strace $0x90000048  }
0xb6: {  	_ =	sfence  }
0xb7: {  	s30 =	sld [smem:$0x0];
	_ =	sdelay $0x2  }
0xb8: {  	s31 =	sshll.u32 s1, $0xD;
	s1 =	sshrl.u32 s1, $0x2  }
0xb9: {  	s3 =	sand.u32 $0x4000, s31;
	s1 =	sadd.s32 s1, s30  }
0xba: {  	s0 =	sor.u32 s3, s0;
	s1 =	sshll.u32 s1, $0x11  }
0xbb: {  	s0 =	sor.u32 s1, s0  }
0xbc: {  	s0 =	sadd.s32 $0x8F2B, s0  }
0xbd: {  	[sflag:s0] =	ssyncadd.remote.s32 $0x1  }
0xbe: {  	_ =	sfence.sel $0xFFFF  }
0xbf: {  	[dreg:$0x0] =	wrdreg $0xFFFFFFFF;
	(pc) =	sbr.abs _section_cstart, $3  }
0xc0: {  	[dreg:$0x1] =	wrdreg $0xFFFFFFFF  }
0xc1: {  	_ =	task.clear_ibuf [dreg:s7], $0x2FFFF;
	_ =	strace $0x9FFFFFFF  }
0xc2: {  	(tm) =	ssettm $0x7FFFFFFF  }
0xc3: {  	_ =	shalt  }
tec
execute0_lowered:
.L_overlay_start_1:
0x0: {  	(tag) =	ssettag $0x1  }
0x1: {  	s4 =	rddreg [dreg:$0x0]  }
0x2: {  	s7 =	rddreg [dreg:$0x1];
	s2 =	srdreg.scid  }
0x3: {  	s0 =	rddreg [dreg:$0x2];
	s1 =	stileid.u32;
	s11 =	simm.s32 $0x80  }
0x4: {  	s12 =	simm.s32 $0x900;
	s13 =	simm.s32 $0xD00;
	s14 =	simm.s32 $0x1500  }
0x5: {  	s15 =	simm.s32 $0x1900;
	s16 =	simm.s32 $0x2100;
	s17 =	simm.s32 $0x2500  }
0x6: {  	s18 =	simm.s32 $0x2D00;
	s19 =	simm.s32 $0x3100;
	s20 =	simm.s32 $0x3900  }
0x7: {  	s21 =	simm.s32 $0x3D00;
	s22 =	simm.s32 $0x4500;
	s23 =	simm.s32 $0x4900  }
0x8: {  	s24 =	simm.s32 $0x5100;
	s25 =	simm.s32 $0x5500;
	s26 =	simm.s32 $0x5D00  }
0x9: {  	s28 =	simm.s32 $0x1;
	s3 =	sand.u32 $0x1, s2;
	s2 =	simm.s32 $0x0  }
0xa: {  	s5 =	sshll.u32 s1, $0x4;
	s6 =	sshll.u32 s3, $0x3;
	[smem:$0x7FF] =	sst s2  }
0xb: {  	s31 =	ssub.s32 $0x2, s3;
	s3 =	sadd.s32 $0x2200, s7;
	s5 =	sor.u32 s6, s5  }
0xc: {  	_ =	strace $0x80000047;
	s8 =	sshrl.u32 s31, $0x1;
	s9 =	smul.u32 $0x180, s5  }
0xd: {  	v2 =	vlaneseq.u32;
	s10 =	sadd.s32 s5, s7;
	s8 =	ssub.s32 s31, s8;
	s7 =	sadd.s32 $0x2300, s7  }
0xe: {  	vm0 =	vmmov $0xffff;
	vm1 =	vmmov $0xff;
	v1 =	vshrl.u32 v2, $0x3;
	s5 =	sadd.s32 $0x2000, s10;
	s6 =	sadd.s32 $0x1E00, s10;
	s8 =	smax.u32 s8, $0x1  }
0xf: {  	v0 =	vand.u32 $0x7, v2;
	v2 =	vor.u32 $0x8, v2;
	v1 =	vmul.u32 $0x8, v1;
	s10 =	simm.s32 $0x2;
	s4 =	sadd.s32 s4, s9;
	s9 =	simm.s32 $0x100  }
.LBB2_1:
0x10: {  	[tilespmem:s9], [sflag:$0x2] =	stream.linear.gather [hbm4b:s4+s2], $0x6000, $0x38;
	[tilespmem:$0x6100] =	vst v63  }
0x11: {  	_ =	swait.ge [sflag:s10], $0x6000  }
0x12: {  	[sflag:s10] =	ssyncset.done $0x0  }
0x13: {  	[sflag:s10] =	ssyncadd.s32 $0xFFFFA000  }
0x14: {  	[tilespmem:s2], [sflag:$0x2] =	stream.linear.gather [hbm4b:s5+s2], $0x40, $0x38;
	[tilespmem:$0x6100] =	vst v63  }
0x15: {  	_ =	swait.ge [sflag:s10], $0x40  }
0x16: {  	[sflag:s10] =	ssyncset.done $0x0  }
0x17: {  	[sflag:s10] =	ssyncadd.s32 $0xFFFFFFC0  }
0x18: {  	[tilespmem:s11], [sflag:$0x2] =	stream.linear.gather [hbm4b:s6+s2], $0x40, $0x38;
	[tilespmem:$0x6100] =	vst v63  }
0x19: {  	_ =	swait.ge [sflag:s10], $0x40  }
0x1a: {  	[sflag:s10] =	ssyncset.done $0x0  }
0x1b: {  	[sflag:s10] =	ssyncadd.s32 $0xFFFFFFC0  }
0x1c: {  	v3 =	vld [tilespmem:$0x0];
	_ =	sdelay $0x4  }
0x1d: {  	v4 =	vshrl.u32 v3, $0x3  }
0x1e: {  	v4 =	vmul.u32 $0x18, v4  }
0x1f: {  	v3 =	vand.u32 $0x7, v3  }
0x20: {  	v3 =	vor.u32 v3, v4  }
0x21: {  	v4 =	vperm.xlane v3, v0;
	_ =	sdelay $0x1  }
0x22: {  	v4 =	vadd.s32 v1, v4;
	_ =	sdelay $0x1  }
0x23: {  	v3 =	vperm.xlane v3, v2;
	_ =	sdelay $0x1  }
0x24: {  	v3 =	vadd.s32 v1, v3  }
0x25: {  	[hbm4b:s3+s2] =	stream.indirect_vreg.scatter [tilespmem:s9], [sflag:$0x1], $0x80, v4, vm0, $0xb8;
	[tilespmem:$0x6100] =	vst v63  }
0x26: {  	_ = 	snop  }
0x27: {  	[hbm4b:s7+s2] =	stream.indirect_vreg.scatter [tilespmem:s12], [sflag:$0x1], $0x80, v4, vm1, $0xb8;
	[tilespmem:$0x6100] =	vst v63  }
0x28: {  	_ = 	snop  }
0x29: {  	[hbm4b:s3+s2] =	stream.indirect_vreg.scatter [tilespmem:s13], [sflag:$0x1], $0x80, v3, vm0, $0xb8;
	[tilespmem:$0x6100] =	vst v63  }
0x2a: {  	_ = 	snop  }
0x2b: {  	[hbm4b:s7+s2] =	stream.indirect_vreg.scatter [tilespmem:s14], [sflag:$0x1], $0x80, v3, vm1, $0xb8;
	[tilespmem:$0x6100] =	vst v63  }
0x2c: {  	v3 =	vld [tilespmem:$0x10];
	_ =	sdelay $0x4  }
0x2d: {  	v57 =	vshrl.u32 v3, $0x3  }
0x2e: {  	v4 =	vmul.u32 $0x18, v57  }
0x2f: {  	v3 =	vand.u32 $0x7, v3  }
0x30: {  	v3 =	vor.u32 v3, v4  }
0x31: {  	v4 =	vperm.xlane v3, v0;
	_ =	sdelay $0x1  }
0x32: {  	v4 =	vadd.s32 v1, v4;
	_ =	sdelay $0x1  }
0x33: {  	v3 =	vperm.xlane v3, v2;
	_ =	sdelay $0x1  }
0x34: {  	v3 =	vadd.s32 v1, v3  }
0x35: {  	[hbm4b:s3+s2] =	stream.indirect_vreg.scatter [tilespmem:s15], [sflag:$0x1], $0x80, v4, vm0, $0xb8;
	[tilespmem:$0x6100] =	vst v63  }
0x36: {  	_ = 	snop  }
0x37: {  	[hbm4b:s7+s2] =	stream.indirect_vreg.scatter [tilespmem:s16], [sflag:$0x1], $0x80, v4, vm1, $0xb8;
	[tilespmem:$0x6100] =	vst v63  }
0x38: {  	_ = 	snop  }
0x39: {  	[hbm4b:s3+s2] =	stream.indirect_vreg.scatter [tilespmem:s17], [sflag:$0x1], $0x80, v3, vm0, $0xb8;
	[tilespmem:$0x6100] =	vst v63  }
0x3a: {  	_ = 	snop  }
0x3b: {  	[hbm4b:s7+s2] =	stream.indirect_vreg.scatter [tilespmem:s18], [sflag:$0x1], $0x80, v3, vm1, $0xb8;
	[tilespmem:$0x6100] =	vst v63  }
0x3c: {  	v3 =	vld [tilespmem:$0x20];
	_ =	sdelay $0x4  }
0x3d: {  	v58 =	vshrl.u32 v3, $0x3  }
0x3e: {  	v4 =	vmul.u32 $0x18, v58  }
0x3f: {  	v3 =	vand.u32 $0x7, v3  }
0x40: {  	v3 =	vor.u32 v3, v4  }
0x41: {  	v4 =	vperm.xlane v3, v0;
	_ =	sdelay $0x1  }
0x42: {  	v4 =	vadd.s32 v1, v4;
	_ =	sdelay $0x1  }
0x43: {  	v3 =	vperm.xlane v3, v2;
	_ =	sdelay $0x1  }
0x44: {  	v3 =	vadd.s32 v1, v3  }
0x45: {  	[hbm4b:s3+s2] =	stream.indirect_vreg.scatter [tilespmem:s19], [sflag:$0x1], $0x80, v4, vm0, $0xb8;
	[tilespmem:$0x6100] =	vst v63  }
0x46: {  	_ = 	snop  }
0x47: {  	[hbm4b:s7+s2] =	stream.indirect_vreg.scatter [tilespmem:s20], [sflag:$0x1], $0x80, v4, vm1, $0xb8;
	[tilespmem:$0x6100] =	vst v63  }
0x48: {  	_ = 	snop  }
0x49: {  	[hbm4b:s3+s2] =	stream.indirect_vreg.scatter [tilespmem:s21], [sflag:$0x1], $0x80, v3, vm0, $0xb8;
	[tilespmem:$0x6100] =	vst v63  }
0x4a: {  	_ = 	snop  }
0x4b: {  	[hbm4b:s7+s2] =	stream.indirect_vreg.scatter [tilespmem:s22], [sflag:$0x1], $0x80, v3, vm1, $0xb8;
	[tilespmem:$0x6100] =	vst v63  }
0x4c: {  	v3 =	vld [tilespmem:$0x30];
	_ =	sdelay $0x4  }
0x4d: {  	v59 =	vshrl.u32 v3, $0x3  }
0x4e: {  	v4 =	vmul.u32 $0x18, v59  }
0x4f: {  	v3 =	vand.u32 $0x7, v3  }
0x50: {  	v3 =	vor.u32 v3, v4  }
0x51: {  	v4 =	vperm.xlane v3, v0;
	_ =	sdelay $0x1  }
0x52: {  	v4 =	vadd.s32 v1, v4;
	_ =	sdelay $0x1  }
0x53: {  	v3 =	vperm.xlane v3, v2;
	_ =	sdelay $0x1  }
0x54: {  	v3 =	vadd.s32 v1, v3  }
0x55: {  	[hbm4b:s3+s2] =	stream.indirect_vreg.scatter [tilespmem:s23], [sflag:$0x1], $0x80, v4, vm0, $0xb8;
	[tilespmem:$0x6100] =	vst v63  }
0x56: {  	_ = 	snop  }
0x57: {  	[hbm4b:s7+s2] =	stream.indirect_vreg.scatter [tilespmem:s24], [sflag:$0x1], $0x80, v4, vm1, $0xb8;
	[tilespmem:$0x6100] =	vst v63  }
0x58: {  	_ = 	snop  }
0x59: {  	[hbm4b:s3+s2] =	stream.indirect_vreg.scatter [tilespmem:s25], [sflag:$0x1], $0x80, v3, vm0, $0xb8;
	[tilespmem:$0x6100] =	vst v63  }
0x5a: {  	_ = 	snop  }
0x5b: {  	[hbm4b:s7+s2] =	stream.indirect_vreg.scatter [tilespmem:s26], [sflag:$0x1], $0x80, v3, vm1, $0xb8;
	[tilespmem:$0x6100] =	vst v63  }
0x5c: {  	_ =	swait.ge [sflag:s28], $0x6000  }
0x5d: {  	[sflag:s28] =	ssyncset.done $0x0  }
0x5e: {  	[sflag:s28] =	ssyncadd.s32 $0xFFFFA000  }
0x5f: {  	v3 =	vld [tilespmem:$0x80];
	_ =	sdelay $0x4  }
0x60: {  	v60 =	vshrl.u32 v3, $0x3  }
0x61: {  	v4 =	vmul.u32 $0x18, v60  }
0x62: {  	v3 =	vand.u32 $0x7, v3  }
0x63: {  	v3 =	vor.u32 v3, v4  }
0x64: {  	v4 =	vperm.xlane v3, v0;
	_ =	sdelay $0x1  }
0x65: {  	v4 =	vadd.s32 v1, v4;
	_ =	sdelay $0x1  }
0x66: {  	v3 =	vperm.xlane v3, v2;
	_ =	sdelay $0x1  }
0x67: {  	v3 =	vadd.s32 v1, v3  }
0x68: {  	[hbm4b:s3+s2] =	stream.indirect_vreg.scatter [tilespmem:s9], [sflag:$0x1], $0x80, v4, vm0, $0xb8;
	[tilespmem:$0x6100] =	vst v63  }
0x69: {  	_ = 	snop  }
0x6a: {  	[hbm4b:s7+s2] =	stream.indirect_vreg.scatter [tilespmem:s12], [sflag:$0x1], $0x80, v4, vm1, $0xb8;
	[tilespmem:$0x6100] =	vst v63  }
0x6b: {  	_ = 	snop  }
0x6c: {  	[hbm4b:s3+s2] =	stream.indirect_vreg.scatter [tilespmem:s13], [sflag:$0x1], $0x80, v3, vm0, $0xb8;
	[tilespmem:$0x6100] =	vst v63  }
0x6d: {  	_ = 	snop  }
0x6e: {  	[hbm4b:s7+s2] =	stream.indirect_vreg.scatter [tilespmem:s14], [sflag:$0x1], $0x80, v3, vm1, $0xb8;
	[tilespmem:$0x6100] =	vst v63  }
0x6f: {  	v3 =	vld [tilespmem:$0x90];
	_ =	sdelay $0x4  }
0x70: {  	v61 =	vshrl.u32 v3, $0x3  }
0x71: {  	v4 =	vmul.u32 $0x18, v61  }
0x72: {  	v3 =	vand.u32 $0x7, v3  }
0x73: {  	v3 =	vor.u32 v3, v4  }
0x74: {  	v4 =	vperm.xlane v3, v0;
	_ =	sdelay $0x1  }
0x75: {  	v4 =	vadd.s32 v1, v4;
	_ =	sdelay $0x1  }
0x76: {  	v3 =	vperm.xlane v3, v2;
	_ =	sdelay $0x1  }
0x77: {  	v3 =	vadd.s32 v1, v3  }
0x78: {  	[hbm4b:s3+s2] =	stream.indirect_vreg.scatter [tilespmem:s15], [sflag:$0x1], $0x80, v4, vm0, $0xb8;
	[tilespmem:$0x6100] =	vst v63  }
0x79: {  	_ = 	snop  }
0x7a: {  	[hbm4b:s7+s2] =	stream.indirect_vreg.scatter [tilespmem:s16], [sflag:$0x1], $0x80, v4, vm1, $0xb8;
	[tilespmem:$0x6100] =	vst v63  }
0x7b: {  	_ = 	snop  }
0x7c: {  	[hbm4b:s3+s2] =	stream.indirect_vreg.scatter [tilespmem:s17], [sflag:$0x1], $0x80, v3, vm0, $0xb8;
	[tilespmem:$0x6100] =	vst v63  }
0x7d: {  	_ = 	snop  }
0x7e: {  	[hbm4b:s7+s2] =	stream.indirect_vreg.scatter [tilespmem:s18], [sflag:$0x1], $0x80, v3, vm1, $0xb8;
	[tilespmem:$0x6100] =	vst v63  }
0x7f: {  	v3 =	vld [tilespmem:$0xA0];
	_ =	sdelay $0x4  }
0x80: {  	v62 =	vshrl.u32 v3, $0x3  }
0x81: {  	v4 =	vmul.u32 $0x18, v62  }
0x82: {  	v3 =	vand.u32 $0x7, v3  }
0x83: {  	v3 =	vor.u32 v3, v4  }
0x84: {  	v4 =	vperm.xlane v3, v0;
	_ =	sdelay $0x1  }
0x85: {  	v4 =	vadd.s32 v1, v4;
	_ =	sdelay $0x1  }
0x86: {  	v3 =	vperm.xlane v3, v2;
	_ =	sdelay $0x1  }
0x87: {  	v3 =	vadd.s32 v1, v3  }
0x88: {  	[hbm4b:s3+s2] =	stream.indirect_vreg.scatter [tilespmem:s19], [sflag:$0x1], $0x80, v4, vm0, $0xb8;
	[tilespmem:$0x6100] =	vst v63  }
0x89: {  	_ = 	snop  }
0x8a: {  	[hbm4b:s7+s2] =	stream.indirect_vreg.scatter [tilespmem:s20], [sflag:$0x1], $0x80, v4, vm1, $0xb8;
	[tilespmem:$0x6100] =	vst v63  }
0x8b: {  	_ = 	snop  }
0x8c: {  	[hbm4b:s3+s2] =	stream.indirect_vreg.scatter [tilespmem:s21], [sflag:$0x1], $0x80, v3, vm0, $0xb8;
	[tilespmem:$0x6100] =	vst v63  }
0x8d: {  	_ = 	snop  }
0x8e: {  	[hbm4b:s7+s2] =	stream.indirect_vreg.scatter [tilespmem:s22], [sflag:$0x1], $0x80, v3, vm1, $0xb8;
	[tilespmem:$0x6100] =	vst v63  }
0x8f: {  	v3 =	vld [tilespmem:$0xB0];
	_ =	sdelay $0x4  }
0x90: {  	v63 =	vshrl.u32 v3, $0x3  }
0x91: {  	v4 =	vmul.u32 $0x18, v63  }
0x92: {  	v3 =	vand.u32 $0x7, v3  }
0x93: {  	v3 =	vor.u32 v3, v4  }
0x94: {  	v4 =	vperm.xlane v3, v0;
	_ =	sdelay $0x1  }
0x95: {  	v4 =	vadd.s32 v1, v4;
	_ =	sdelay $0x1  }
0x96: {  	v3 =	vperm.xlane v3, v2;
	_ =	sdelay $0x1  }
0x97: {  	v3 =	vadd.s32 v1, v3  }
0x98: {  	[hbm4b:s3+s2] =	stream.indirect_vreg.scatter [tilespmem:s23], [sflag:$0x1], $0x80, v4, vm0, $0xb8;
	[tilespmem:$0x6100] =	vst v63  }
0x99: {  	_ = 	snop  }
0x9a: {  	[hbm4b:s7+s2] =	stream.indirect_vreg.scatter [tilespmem:s24], [sflag:$0x1], $0x80, v4, vm1, $0xb8;
	[tilespmem:$0x6100] =	vst v63  }
0x9b: {  	p0 =	sne.s32 s8, $0x1  }
0x9c: {  	[hbm4b:s3+s2] =	stream.indirect_vreg.scatter [tilespmem:s25], [sflag:$0x1], $0x80, v3, vm0, $0xb8;
	[tilespmem:$0x6100] =	vst v63  }
.Ltmp0:
0x9d: {  	_ = 	snop;
	(pc) =	sbr.rel @p0 .LBB2_1-.Ltmp0, $4  }
0x9e: {  	[hbm4b:s7+s2] =	stream.indirect_vreg.scatter [tilespmem:s26], [sflag:$0x1], $0x80, v3, vm1, $0xb8;
	[tilespmem:$0x6100] =	vst v63  }
0x9f: {  	_ =	swait.ge [sflag:s28], $0x6000  }
0xa0: {  	[sflag:s28] =	ssyncset.done $0x0  }
0xa1: {  	s8 =	sadd.s32 $0xFFFFFFFF, s8;
	[sflag:s28] =	ssyncadd.s32 $0xFFFFA000  }
0xa2: {  	_ =	sfence.sel $0x180000  }
0xa3: {  	[bflag:$0x0] =	sbarrier.arrive $0xFFFF  }
0xa4: {  	p0 =	sne.s32 s1, $0x0;
	_ =	strace $0x90000047  }
0xa5: {  	s0 =	sadd.s32 @!p0 $0x100000, s0;
	[bflag:$0x2] =	sbarrier.arrive $0xFFFF  }
0xa6: {  	[sflag:s0] =	ssyncadd.tile.s32 @!p0 $0x1;
	_ =	shalt  }
.Lfunc_end2:
_tile_overlayer_lowered:
.L_overlay_start_2:
0xa7: {  	(tag) =	ssettag $0x2  }
0xa8: {  	s0 =	rddreg [dreg:$0x0];
	s2 =	stileid.u32  }
0xa9: {  	s1 =	rddreg [dreg:$0x1];
	p0 =	sne.s32 s2, $0x0  }
0xaa: {  	s3 =	rddreg [dreg:$0x2];
	[bflag:$0x3] =	sbarrier.arrive $0xFFFF;
	s2 =	simm.s32 @!p0 $0x1C02  }
0xab: {  	[timem:s3], [sflag:s2] =	dma.local @!p0 [hbm:s0], s1  }
0xac: {  	s0 =	simm.s32 @!p0 $0x2  }
0xad: {  	_ =	swait.ge @!p0 [sflag:s0], s1  }
0xae: {  	s1 =	ssub.s32 @!p0 $0x0, s1;
	[sflag:s0] =	ssyncset.done @!p0 $0x0  }
0xaf: {  	[sflag:s0] =	ssyncadd.s32 @!p0 s1  }
0xb0: {  	[bflag:$0x3] =	sbarrier.arrive $0xFFFF  }
0xb1: {  	_ =	shalt  }

</sc_bundles>
